<compile_context>
chip_gen: v7x
topology: tpu7x:2x2x1
jax: 0.10.2.dev20260603
libtpu: 0.0.44.dev20260713+nightly
codegen_flags: <defaults>
</compile_context>

<pallas_src>
import functools

import jax
import jax.numpy as jnp
from jax import lax
from jax.experimental import pallas as pl
from jax.experimental.pallas import tpu as pltpu
from jax.experimental.pallas import tpu_sc as plsc

B = 128
N = 80
D = 128
F = 128
EG = 1280
T = 16
BOT = 16

NN = N * N
NUM_ITEMS = 2 * B
NUM_WORKERS = 32
PER_W = NUM_ITEMS // NUM_WORKERS

GB = 8


def _build_counts(src, dst):
    mesh = plsc.VectorSubcoreMesh(
        core_axis_name="c", subcore_axis_name="s", num_cores=2, num_subcores=16
    )

    @functools.partial(
        pl.kernel,
        out_type=jax.ShapeDtypeStruct((NUM_ITEMS, NN), jnp.float32),
        mesh=mesh,
        scratch_types=[
            pltpu.VMEM((EG,), jnp.int32),
            pltpu.VMEM((EG,), jnp.int32),
            pltpu.VMEM((NN,), jnp.float32),
        ],
        compiler_params=pltpu.CompilerParams(needs_layout_passes=False),
    )
    def sc_kernel(src_hbm, dst_hbm, out_hbm, s_v, d_v, acc_v):
        wid = lax.axis_index("s") * 2 + lax.axis_index("c")
        zeros16 = jnp.zeros((16,), jnp.float32)
        ones16 = jnp.ones((16,), jnp.float32)

        @pl.loop(0, PER_W)
        def _(t):
            item = wid * PER_W + t
            bb = lax.rem(item, B) * (NN + N)
            pltpu.sync_copy(src_hbm.at[item], s_v)
            pltpu.sync_copy(dst_hbm.at[item], d_v)

            @pl.loop(0, NN, step=16)
            def _(i):
                acc_v[pl.ds(i, 16)] = zeros16

            @pl.loop(0, EG, step=16)
            def _(e):
                s = s_v[pl.ds(e, 16)]
                d = d_v[pl.ds(e, 16)]
                off = d * N + s - bb
                plsc.addupdate_scatter(acc_v, [off], ones16)

            pltpu.sync_copy(acc_v, out_hbm.at[item])

    return sc_kernel(src, dst)


def _gcn_pool_side(x3, c3, szb, wg, bg, watt_t):
    h = x3.reshape(GB * N, D)
    row = lax.broadcasted_iota(jnp.int32, (N, N), 0)
    col = lax.broadcasted_iota(jnp.int32, (N, N), 1)
    eye = jnp.where(row == col, 1.0, 0.0).astype(jnp.float32)

    adjs = []
    dinvs = []
    for g in range(GB):
        cg = c3[g] + eye
        deg = jnp.sum(cg, axis=1, keepdims=True)
        dinvs.append(lax.rsqrt(deg))
        adjs.append(cg)

    for w, b in zip(wg, bg):
        hw = jnp.dot(h, w, preferred_element_type=jnp.float32, precision=lax.Precision.HIGHEST)
        outs = []
        for g in range(GB):
            hwg = hw[g * N:(g + 1) * N]
            u = jnp.dot(adjs[g], dinvs[g] * hwg,
                        preferred_element_type=jnp.float32, precision=lax.Precision.HIGHEST)
            outs.append(dinvs[g] * u)
        h = jax.nn.relu(jnp.concatenate(outs, axis=0) + b)

    es = []
    for g in range(GB):
        qg = h[g * N:(g + 1) * N]
        size = szb[g:g + 1, :]
        csum = jnp.sum(qg, axis=0, keepdims=True) / size
        ctx = jnp.tanh(jnp.dot(csum, watt_t,
                               preferred_element_type=jnp.float32, precision=lax.Precision.HIGHEST))
        sg = jax.nn.sigmoid(jnp.sum(qg * ctx, axis=1, keepdims=True))
        es.append(jnp.sum(qg * sg, axis=0, keepdims=True))
    return jnp.concatenate(es, axis=0)


def _stage1_body(xq_ref, xc_ref, cq_ref, cc_ref, szq_ref, szc_ref,
                 wg0_ref, bg0_ref, wg1_ref, bg1_ref, wg2_ref, bg2_ref,
                 watt_ref, e1_ref, e2_ref):
    wg = [wg0_ref[...], wg1_ref[...], wg2_ref[...]]
    bg = [bg0_ref[...], bg1_ref[...], bg2_ref[...]]
    watt_t = watt_ref[...]
    e1_ref[...] = _gcn_pool_side(xq_ref[...], cq_ref[...], szq_ref[...],
                                 wg, bg, watt_t)
    e2_ref[...] = _gcn_pool_side(xc_ref[...], cc_ref[...], szc_ref[...],
                                 wg, bg, watt_t)


def _stage2_body(e1_ref, e2_ref, war_ref, wb1_ref, wb2_ref, nb_ref,
                 wfc1_ref, bfc1_ref, wfc2_ref, bfc2_ref, out_ref):
    e1 = e1_ref[...]
    e2 = e2_ref[...]
    u = jnp.dot(e1, war_ref[...], preferred_element_type=jnp.float32, precision=lax.Precision.HIGHEST)
    u3 = u.reshape(B, T, F)
    bil = jnp.sum(u3 * e2[:, None, :], axis=2)
    scores = jax.nn.relu(
        bil
        + jnp.dot(e1, wb1_ref[...], preferred_element_type=jnp.float32, precision=lax.Precision.HIGHEST)
        + jnp.dot(e2, wb2_ref[...], preferred_element_type=jnp.float32, precision=lax.Precision.HIGHEST)
        + nb_ref[...])
    h = jax.nn.relu(jnp.dot(scores, wfc1_ref[...],
                            preferred_element_type=jnp.float32, precision=lax.Precision.HIGHEST) + bfc1_ref[...])
    sc = jax.nn.sigmoid(jnp.dot(h, wfc2_ref[...],
                                preferred_element_type=jnp.float32, precision=lax.Precision.HIGHEST)
                        + bfc2_ref[...][:, :1])
    out_ref[...] = jnp.broadcast_to(sc, (B, 128))


def _stage1(xq3, xc3, cq3, cc3, szqb, szcb, wg0, bg0, wg1, bg1, wg2, bg2,
            watt_t):
    full = lambda i: (0, 0)
    blk = lambda i: (i, 0)
    blk3 = lambda i: (i, 0, 0)
    return pl.pallas_call(
        _stage1_body,
        grid=(B // GB,),
        in_specs=[
            pl.BlockSpec((GB, N, D), blk3),
            pl.BlockSpec((GB, N, D), blk3),
            pl.BlockSpec((GB, N, N), blk3),
            pl.BlockSpec((GB, N, N), blk3),
            pl.BlockSpec((GB, 128), blk),
            pl.BlockSpec((GB, 128), blk),
            pl.BlockSpec((D, F), full),
            pl.BlockSpec((1, F), full),
            pl.BlockSpec((F, F), full),
            pl.BlockSpec((1, F), full),
            pl.BlockSpec((F, F), full),
            pl.BlockSpec((1, F), full),
            pl.BlockSpec((F, F), full),
        ],
        out_specs=[
            pl.BlockSpec((GB, F), blk),
            pl.BlockSpec((GB, F), blk),
        ],
        out_shape=[
            jax.ShapeDtypeStruct((B, F), jnp.float32),
            jax.ShapeDtypeStruct((B, F), jnp.float32),
        ],
    )(xq3, xc3, cq3, cc3, szqb, szcb, wg0, bg0, wg1, bg1, wg2, bg2, watt_t)


def _stage2(e1, e2, war, wb1, wb2, nb, wfc1, bfc1, wfc2, bfc2):
    full = lambda: (0, 0)
    return pl.pallas_call(
        _stage2_body,
        out_shape=jax.ShapeDtypeStruct((B, 128), jnp.float32),
    )(e1, e2, war, wb1, wb2, nb, wfc1, bfc1, wfc2, bfc2)


def kernel(xq, xc, edge_index_q, edge_index_c, qgraph_sizes, cgraph_sizes,
           Wg0, bg0, Wg1, bg1, Wg2, bg2, W_att, W_ntn_a, W_ntn_b, ntn_bias,
           W_fc1, b_fc1, W_fc2, b_fc2):
    eq = edge_index_q.astype(jnp.int32)
    ec = edge_index_c.astype(jnp.int32)
    src = jnp.concatenate([eq[0].reshape(B, EG), ec[0].reshape(B, EG)], axis=0)
    dst = jnp.concatenate([eq[1].reshape(B, EG), ec[1].reshape(B, EG)], axis=0)

    counts = _build_counts(src, dst)
    cq3 = counts[:B].reshape(B, N, N)
    cc3 = counts[B:].reshape(B, N, N)

    xq3 = xq.reshape(B, N, D)
    xc3 = xc.reshape(B, N, D)
    szqb = jnp.broadcast_to(qgraph_sizes[:, None], (B, 128))
    szcb = jnp.broadcast_to(cgraph_sizes[:, None], (B, 128))

    e1, e2 = _stage1(xq3, xc3, cq3, cc3, szqb, szcb,
                     Wg0, bg0.reshape(1, F), Wg1, bg1.reshape(1, F),
                     Wg2, bg2.reshape(1, F), W_att.T)

    war = W_ntn_a.transpose(1, 0, 2).reshape(F, T * F)
    wb1 = W_ntn_b[:, :F].T
    wb2 = W_ntn_b[:, F:].T
    nb = ntn_bias.reshape(1, T)
    wfc1 = W_fc1.T
    bfc1 = b_fc1.reshape(1, BOT)
    wfc2 = W_fc2.T
    bfc2 = jnp.broadcast_to(b_fc2.reshape(1, 1), (1, 128))

    out = _stage2(e1, e2, war, wb1, wb2, nb, wfc1, bfc1, wfc2, bfc2)
    return out[:, 0]

# --- scband reference (transcript-rebuilt; emitter-appended) ---
"""Pipeline reference for scband-sim-gnn-37769942401342 (READ-ONLY COPY).

The authoritative reference and input builder live on the scoring server;
editing this copy changes nothing except your own understanding.
"""

import jax, jax.numpy as jnp
import numpy as np

B = 128   # graph pairs
N = 80    # nodes per graph
D = 128   # input_dim
F = 128   # filters[-1]
EG = 1280 # edges per graph (avg_degree 16)
T = 16    # tensor_neurons
BOT = 16  # bottle_neck_neurons


def _make_edges(k):
    # per-graph random edges, offset into the flattened batched node space
    e = jax.random.randint(k, (2, B, EG), 0, N)
    offs = (jnp.arange(B) * N)[None, :, None]
    return (e + offs).reshape(2, B * EG)


def setup_inputs(seed: int = 0) -> dict:
    key = jax.random.key(seed)
    ks = jax.random.split(key, 24)

    def glorot(k, shape):
        fan = shape[-2] + shape[-1]
        return (jax.random.uniform(k, shape, jnp.float32, -1.0, 1.0) * np.sqrt(6.0 / fan)).astype(jnp.float32)

    inp = {}
    inp['xq'] = jax.random.normal(ks[0], (B * N, D), jnp.float32)
    inp['xc'] = jax.random.normal(ks[1], (B * N, D), jnp.float32)
    inp['edge_index_q'] = _make_edges(ks[2])
    inp['edge_index_c'] = _make_edges(ks[3])
    inp['qgraph_sizes'] = jnp.full((B,), float(N), jnp.float32)
    inp['cgraph_sizes'] = jnp.full((B,), float(N), jnp.float32)
    # GCN layer weights (x @ W + b after symmetric-normalized aggregation)
    inp['Wg0'] = glorot(ks[4], (D, F)); inp['bg0'] = jnp.zeros((F,), jnp.float32)
    inp['Wg1'] = glorot(ks[5], (F, F)); inp['bg1'] = jnp.zeros((F,), jnp.float32)
    inp['Wg2'] = glorot(ks[6], (F, F)); inp['bg2'] = jnp.zeros((F,), jnp.float32)
    inp['W_att'] = glorot(ks[7], (F, F))          # attention_layer.weight [out,in]
    inp['W_ntn_a'] = glorot(ks[8], (T, F, F))     # Bilinear weight [T, F, F]
    inp['W_ntn_b'] = glorot(ks[9], (T, 2 * F))    # Linear weight [T, 2F]
    inp['ntn_bias'] = glorot(ks[10], (T, 1)).reshape(T)
    inp['W_fc1'] = glorot(ks[11], (BOT, T)); inp['b_fc1'] = jnp.zeros((BOT,), jnp.float32)
    inp['W_fc2'] = glorot(ks[12], (1, BOT)); inp['b_fc2'] = jnp.zeros((1,), jnp.float32)
    return inp


def _gcn_layer(x, src, dst, W, b):
    # pyg GCNConv: add self-loops, D^-1/2 (A+I) D^-1/2 (x W) + b
    n = x.shape[0]
    h = x @ W
    loops = jnp.arange(n)
    s = jnp.concatenate([src, loops])
    d = jnp.concatenate([dst, loops])
    deg = jax.ops.segment_sum(jnp.ones(s.shape[0], jnp.float32), d, num_segments=n)
    dinv = jnp.where(deg > 0, deg, 1.0) ** -0.5
    dinv = jnp.where(deg > 0, dinv, 0.0)
    norm = dinv[s] * dinv[d]
    agg = jax.ops.segment_sum(h[s] * norm[:, None], d, num_segments=n)
    return agg + b


def _gnn(x, edge_index, layers):
    src, dst = edge_index[0], edge_index[1]
    for (W, b) in layers:
        x = jax.nn.relu(_gcn_layer(x, src, dst, W, b))
        # dropout p=0.0 / eval mode -> identity
    return x


def _att_pool(x_flat, W_att, sizes):
    q = x_flat.reshape(B, N, -1)                                   # pad_sequence (equal sizes)
    context = jnp.tanh(jnp.sum(q @ W_att.T, axis=1) / sizes[:, None])
    sg = jax.nn.sigmoid(jnp.einsum('bnf,bf->bn', q, context))      # q @ context.unsqueeze(2)
    return jnp.einsum('bnf,bn->bf', q, sg)                         # q^T @ sigmoid_scores


def reference(xq, xc, edge_index_q, edge_index_c, qgraph_sizes, cgraph_sizes,
              Wg0, bg0, Wg1, bg1, Wg2, bg2, W_att, W_ntn_a, W_ntn_b, ntn_bias,
              W_fc1, b_fc1, W_fc2, b_fc2):
    layers = [(Wg0, bg0), (Wg1, bg1), (Wg2, bg2)]
    hq = _gnn(xq, edge_index_q, layers)
    hc = _gnn(xc, edge_index_c, layers)
    e1 = _att_pool(hq, W_att, qgraph_sizes)
    e2 = _att_pool(hc, W_att, cgraph_sizes)
    bil = jnp.einsum('bi,kij,bj->bk', e1, W_ntn_a, e2)             # NTN bilinear
    scores = jax.nn.relu(bil + jnp.concatenate([e1, e2], axis=-1) @ W_ntn_b.T + ntn_bias)
    h = jax.nn.relu(scores @ W_fc1.T + b_fc1)
    score = jax.nn.sigmoid(h @ W_fc2.T + b_fc2)                    # [B, 1]
    return score.reshape(-1)                                       # stack+squeeze -> [B]


if False:  # reference __main__ guard neutralized (emitter)
    out = reference(**setup_inputs())
    print(out.shape, out.dtype)

if __name__ == "__main__":
    import jax
    _d = setup_inputs()
    print(jax.jit(kernel)(*tuple(_d.values())))

</pallas_src>

<mosaic_0001>
#map = affine_map<(d0, d1) -> (0, 0)>
module attributes {stable_mosaic.version = 14 : i64} {
  func.func @sc_kernel(%arg0: i32, %arg1: i32, %arg2: memref<256x1280xi32, #tpu.memory_space<hbm>>, %arg3: memref<256x1280xi32, #tpu.memory_space<hbm>>, %arg4: memref<256x6400xf32, #tpu.memory_space<hbm>>, %arg5: memref<1280xi32, #tpu.memory_space<vmem>>, %arg6: memref<1280xi32, #tpu.memory_space<vmem>>, %arg7: memref<6400xf32, #tpu.memory_space<vmem>>) attributes {dimension_semantics = [#tpu.dimension_semantics<core_parallel>, #tpu.dimension_semantics<subcore_parallel>], iteration_bounds = array<i64: 2, 16>, scalar_prefetch = 0 : i64, scratch_operands = 3 : i64, tpu.core_type = #tpu.core_type<sc_vector_subcore>, window_params = [{transform_indices = #map}, {transform_indices = #map}, {transform_indices = #map}]} {
    %mul3A = arith.constant 2 : i32
    %mul3A_0 = arith.muli %arg1, %mul3A : i32
    %add3A = arith.addi %mul3A_0, %arg0 : i32
    %broadcast_in_dim3A = arith.constant 0.000000e+00 : f32
    %broadcast_in_dim3A_1 = vector.broadcast %broadcast_in_dim3A : f32 to vector<16xf32>
    %broadcast_in_dim3A_2 = arith.constant 1.000000e+00 : f32
    %broadcast_in_dim3A_3 = vector.broadcast %broadcast_in_dim3A_2 : f32 to vector<16xf32>
    %scan3A = arith.constant 0 : i32
    %scan3A_4 = arith.constant 8 : i32
    %scan3A_5 = arith.addi %scan3A, %scan3A_4 : i32
    %scan3A_6 = arith.constant 1 : i32
    scf.for %scan3A_8 = %scan3A to %scan3A_5 step %scan3A_6  : i32 {
      %mul3A_9 = arith.constant 1 : i32
      %mul3A_10 = arith.muli %scan3A_8, %mul3A_9 : i32
      %add3A_11 = arith.constant 0 : i32
      %add3A_12 = arith.addi %add3A_11, %mul3A_10 : i32
      %mul3A_13 = arith.constant 8 : i32
      %mul3A_14 = arith.muli %add3A, %mul3A_13 : i32
      %add3A_15 = arith.addi %mul3A_14, %add3A_12 : i32
      %rem3A = arith.constant 128 : i32
      %rem3A_16 = arith.remsi %add3A_15, %rem3A : i32
      %mul3A_17 = arith.constant 6480 : i32
      %mul3A_18 = arith.muli %rem3A_16, %mul3A_17 : i32
      "tpu.region"() ({
        %run_scoped3A = tpu.sem_alloc : memref<!tpu.dma_semaphore, #tpu.memory_space<semaphore_mem>>
        %dma_start3A = arith.constant 0 : i32
        %dma_start3A_29 = tpu.memref_slice %arg2[%add3A_15, %dma_start3A] : memref<256x1280xi32, #tpu.memory_space<hbm>> -> memref<1x1280xi32, #tpu.memory_space<hbm>>
        %dma_start3A_30 = tpu.memref_squeeze %dma_start3A_29 : memref<1x1280xi32, #tpu.memory_space<hbm>> -> memref<1280xi32, #tpu.memory_space<hbm>>
        %dma_start3A_31 = arith.constant 0 : i32
        %dma_start3A_32 = tpu.memref_slice %arg2[%add3A_15, %dma_start3A_31] : memref<256x1280xi32, #tpu.memory_space<hbm>> -> memref<1x1280xi32, #tpu.memory_space<hbm>>
        %dma_start3A_33 = tpu.memref_squeeze %dma_start3A_32 : memref<1x1280xi32, #tpu.memory_space<hbm>> -> memref<1280xi32, #tpu.memory_space<hbm>>
        tpu.enqueue_dma source(%dma_start3A_33 : memref<1280xi32, #tpu.memory_space<hbm>>) target(%arg5 : memref<1280xi32, #tpu.memory_space<vmem>>) target_semaphore(%run_scoped3A : memref<!tpu.dma_semaphore, #tpu.memory_space<semaphore_mem>>)
        %dma_wait3A = arith.constant 0 : i32
        %dma_wait3A_34 = tpu.memref_slice %arg2[%add3A_15, %dma_wait3A] : memref<256x1280xi32, #tpu.memory_space<hbm>> -> memref<1x1280xi32, #tpu.memory_space<hbm>>
        %dma_wait3A_35 = tpu.memref_squeeze %dma_wait3A_34 : memref<1x1280xi32, #tpu.memory_space<hbm>> -> memref<1280xi32, #tpu.memory_space<hbm>>
        %dma_wait3A_36 = arith.constant 0 : i32
        %dma_wait3A_37 = tpu.memref_slice %arg2[%add3A_15, %dma_wait3A_36] : memref<256x1280xi32, #tpu.memory_space<hbm>> -> memref<1x1280xi32, #tpu.memory_space<hbm>>
        %dma_wait3A_38 = tpu.memref_squeeze %dma_wait3A_37 : memref<1x1280xi32, #tpu.memory_space<hbm>> -> memref<1280xi32, #tpu.memory_space<hbm>>
        tpu.wait_dma2 semaphore(%run_scoped3A : memref<!tpu.dma_semaphore, #tpu.memory_space<semaphore_mem>>) src(%dma_wait3A_38 : memref<1280xi32, #tpu.memory_space<hbm>>) dst(%arg5 : memref<1280xi32, #tpu.memory_space<vmem>>)
        tpu.yield
      }) : () -> ()
      "tpu.region"() ({
        %run_scoped3A = tpu.sem_alloc : memref<!tpu.dma_semaphore, #tpu.memory_space<semaphore_mem>>
        %dma_start3A = arith.constant 0 : i32
        %dma_start3A_29 = tpu.memref_slice %arg3[%add3A_15, %dma_start3A] : memref<256x1280xi32, #tpu.memory_space<hbm>> -> memref<1x1280xi32, #tpu.memory_space<hbm>>
        %dma_start3A_30 = tpu.memref_squeeze %dma_start3A_29 : memref<1x1280xi32, #tpu.memory_space<hbm>> -> memref<1280xi32, #tpu.memory_space<hbm>>
        %dma_start3A_31 = arith.constant 0 : i32
        %dma_start3A_32 = tpu.memref_slice %arg3[%add3A_15, %dma_start3A_31] : memref<256x1280xi32, #tpu.memory_space<hbm>> -> memref<1x1280xi32, #tpu.memory_space<hbm>>
        %dma_start3A_33 = tpu.memref_squeeze %dma_start3A_32 : memref<1x1280xi32, #tpu.memory_space<hbm>> -> memref<1280xi32, #tpu.memory_space<hbm>>
        tpu.enqueue_dma source(%dma_start3A_33 : memref<1280xi32, #tpu.memory_space<hbm>>) target(%arg6 : memref<1280xi32, #tpu.memory_space<vmem>>) target_semaphore(%run_scoped3A : memref<!tpu.dma_semaphore, #tpu.memory_space<semaphore_mem>>)
        %dma_wait3A = arith.constant 0 : i32
        %dma_wait3A_34 = tpu.memref_slice %arg3[%add3A_15, %dma_wait3A] : memref<256x1280xi32, #tpu.memory_space<hbm>> -> memref<1x1280xi32, #tpu.memory_space<hbm>>
        %dma_wait3A_35 = tpu.memref_squeeze %dma_wait3A_34 : memref<1x1280xi32, #tpu.memory_space<hbm>> -> memref<1280xi32, #tpu.memory_space<hbm>>
        %dma_wait3A_36 = arith.constant 0 : i32
        %dma_wait3A_37 = tpu.memref_slice %arg3[%add3A_15, %dma_wait3A_36] : memref<256x1280xi32, #tpu.memory_space<hbm>> -> memref<1x1280xi32, #tpu.memory_space<hbm>>
        %dma_wait3A_38 = tpu.memref_squeeze %dma_wait3A_37 : memref<1x1280xi32, #tpu.memory_space<hbm>> -> memref<1280xi32, #tpu.memory_space<hbm>>
        tpu.wait_dma2 semaphore(%run_scoped3A : memref<!tpu.dma_semaphore, #tpu.memory_space<semaphore_mem>>) src(%dma_wait3A_38 : memref<1280xi32, #tpu.memory_space<hbm>>) dst(%arg6 : memref<1280xi32, #tpu.memory_space<vmem>>)
        tpu.yield
      }) : () -> ()
      %scan3A_19 = arith.constant 0 : i32
      %scan3A_20 = arith.constant 400 : i32
      %scan3A_21 = arith.addi %scan3A_19, %scan3A_20 : i32
      %scan3A_22 = arith.constant 1 : i32
      scf.for %scan3A_29 = %scan3A_19 to %scan3A_21 step %scan3A_22  : i32 {
        %mul3A_30 = arith.constant 16 : i32
        %mul3A_31 = arith.muli %scan3A_29, %mul3A_30 : i32
        %add3A_32 = arith.constant 0 : i32
        %add3A_33 = arith.addi %add3A_32, %mul3A_31 : i32
        %swap3A = arith.index_cast %add3A_33 : i32 to index
        %swap3A_34 = tpu.vector_load %arg7[%swap3A] {strides = array<i32>} : memref<6400xf32, #tpu.memory_space<vmem>>, vector<16xf32>,
        tpu.vector_store %arg7[%swap3A], %broadcast_in_dim3A_1 {strides = array<i32>} : memref<6400xf32, #tpu.memory_space<vmem>>, vector<16xf32>,
      }
      %scan3A_23 = arith.constant 400 : i32
      %scan3A_24 = arith.constant 0 : i32
      %scan3A_25 = arith.constant 80 : i32
      %scan3A_26 = arith.addi %scan3A_24, %scan3A_25 : i32
      %scan3A_27 = arith.constant 1 : i32
      scf.for %scan3A_29 = %scan3A_24 to %scan3A_26 step %scan3A_27  : i32 {
        %mul3A_30 = arith.constant 16 : i32
        %mul3A_31 = arith.muli %scan3A_29, %mul3A_30 : i32
        %add3A_32 = arith.constant 0 : i32
        %add3A_33 = arith.addi %add3A_32, %mul3A_31 : i32
        %get3A = arith.index_cast %add3A_33 : i32 to index
        %get3A_34 = tpu.vector_load %arg5[%get3A] {strides = array<i32>} : memref<1280xi32, #tpu.memory_space<vmem>>, vector<16xi32>,
        %get3A_35 = arith.index_cast %add3A_33 : i32 to index
        %get3A_36 = tpu.vector_load %arg6[%get3A_35] {strides = array<i32>} : memref<1280xi32, #tpu.memory_space<vmem>>, vector<16xi32>,
        %mul3A_37 = arith.constant 80 : i32
        %mul3A_38 = vector.broadcast %mul3A_37 : i32 to vector<16xi32>
        %mul3A_39 = arith.muli %get3A_36, %mul3A_38 : vector<16xi32>
        %add3A_40 = arith.addi %mul3A_39, %get3A_34 : vector<16xi32>
        %sub3A = vector.broadcast %mul3A_18 : i32 to vector<16xi32>
        %sub3A_41 = arith.subi %add3A_40, %sub3A : vector<16xi32>
        tpu.vector_store_idx %arg7[%sub3A_41], %broadcast_in_dim3A_3 {add = true} : memref<6400xf32, #tpu.memory_space<vmem>>[vector<16xi32>], vector<16xf32>,
      }
      %scan3A_28 = arith.constant 80 : i32
      "tpu.region"() ({
        %run_scoped3A = tpu.sem_alloc : memref<!tpu.dma_semaphore, #tpu.memory_space<semaphore_mem>>
        %dma_start3A = arith.constant 0 : i32
        %dma_start3A_29 = tpu.memref_slice %arg4[%add3A_15, %dma_start3A] : memref<256x6400xf32, #tpu.memory_space<hbm>> -> memref<1x6400xf32, #tpu.memory_space<hbm>>
        %dma_start3A_30 = tpu.memref_squeeze %dma_start3A_29 : memref<1x6400xf32, #tpu.memory_space<hbm>> -> memref<6400xf32, #tpu.memory_space<hbm>>
        %dma_start3A_31 = arith.constant 0 : i32
        %dma_start3A_32 = tpu.memref_slice %arg4[%add3A_15, %dma_start3A_31] : memref<256x6400xf32, #tpu.memory_space<hbm>> -> memref<1x6400xf32, #tpu.memory_space<hbm>>
        %dma_start3A_33 = tpu.memref_squeeze %dma_start3A_32 : memref<1x6400xf32, #tpu.memory_space<hbm>> -> memref<6400xf32, #tpu.memory_space<hbm>>
        tpu.enqueue_dma source(%arg7 : memref<6400xf32, #tpu.memory_space<vmem>>) target(%dma_start3A_33 : memref<6400xf32, #tpu.memory_space<hbm>>) target_semaphore(%run_scoped3A : memref<!tpu.dma_semaphore, #tpu.memory_space<semaphore_mem>>)
        %dma_wait3A = arith.constant 0 : i32
        %dma_wait3A_34 = tpu.memref_slice %arg4[%add3A_15, %dma_wait3A] : memref<256x6400xf32, #tpu.memory_space<hbm>> -> memref<1x6400xf32, #tpu.memory_space<hbm>>
        %dma_wait3A_35 = tpu.memref_squeeze %dma_wait3A_34 : memref<1x6400xf32, #tpu.memory_space<hbm>> -> memref<6400xf32, #tpu.memory_space<hbm>>
        %dma_wait3A_36 = arith.constant 0 : i32
        %dma_wait3A_37 = tpu.memref_slice %arg4[%add3A_15, %dma_wait3A_36] : memref<256x6400xf32, #tpu.memory_space<hbm>> -> memref<1x6400xf32, #tpu.memory_space<hbm>>
        %dma_wait3A_38 = tpu.memref_squeeze %dma_wait3A_37 : memref<1x6400xf32, #tpu.memory_space<hbm>> -> memref<6400xf32, #tpu.memory_space<hbm>>
        tpu.wait_dma2 semaphore(%run_scoped3A : memref<!tpu.dma_semaphore, #tpu.memory_space<semaphore_mem>>) src(%arg7 : memref<6400xf32, #tpu.memory_space<vmem>>) dst(%dma_wait3A_38 : memref<6400xf32, #tpu.memory_space<hbm>>)
        tpu.yield
      }) : () -> ()
    }
    %scan3A_7 = arith.constant 8 : i32
    return
  }
}

module attributes {stable_mosaic.version = 14 : i64} {
  func.func @_stage1_body(%arg0: i32, %arg1: memref<8x80x128xf32, #tpu.memory_space<vmem>>, %arg2: memref<8x80x128xf32, #tpu.memory_space<vmem>>, %arg3: memref<8x80x80xf32, #tpu.memory_space<vmem>>, %arg4: memref<8x80x80xf32, #tpu.memory_space<vmem>>, %arg5: memref<8x128xf32, #tpu.memory_space<vmem>>, %arg6: memref<8x128xf32, #tpu.memory_space<vmem>>, %arg7: memref<128x128xf32, #tpu.memory_space<vmem>>, %arg8: memref<1x128xf32, #tpu.memory_space<vmem>>, %arg9: memref<128x128xf32, #tpu.memory_space<vmem>>, %arg10: memref<1x128xf32, #tpu.memory_space<vmem>>, %arg11: memref<128x128xf32, #tpu.memory_space<vmem>>, %arg12: memref<1x128xf32, #tpu.memory_space<vmem>>, %arg13: memref<128x128xf32, #tpu.memory_space<vmem>>, %arg14: memref<8x128xf32, #tpu.memory_space<vmem>>, %arg15: memref<8x128xf32, #tpu.memory_space<vmem>>) attributes {dimension_semantics = [#tpu.dimension_semantics<arbitrary>], iteration_bounds = array<i64: 16>, scalar_prefetch = 0 : i64, scratch_operands = 0 : i64, tpu.core_type = #tpu.core_type<tc>, window_params = [{transform_indices = @transform_0, window_bounds = array<i64: 8, 80, 128>}, {transform_indices = @transform_1, window_bounds = array<i64: 8, 80, 128>}, {transform_indices = @transform_2, window_bounds = array<i64: 8, 80, 80>}, {transform_indices = @transform_3, window_bounds = array<i64: 8, 80, 80>}, {transform_indices = @transform_4, window_bounds = array<i64: 8, 128>}, {transform_indices = @transform_5, window_bounds = array<i64: 8, 128>}, {pipeline_mode = #tpu.pipeline_mode<synchronous>, transform_indices = @transform_6, window_bounds = array<i64: 128, 128>}, {pipeline_mode = #tpu.pipeline_mode<synchronous>, transform_indices = @transform_7, window_bounds = array<i64: 1, 128>}, {pipeline_mode = #tpu.pipeline_mode<synchronous>, transform_indices = @transform_8, window_bounds = array<i64: 128, 128>}, {pipeline_mode = #tpu.pipeline_mode<synchronous>, transform_indices = @transform_9, window_bounds = array<i64: 1, 128>}, {pipeline_mode = #tpu.pipeline_mode<synchronous>, transform_indices = @transform_10, window_bounds = array<i64: 128, 128>}, {pipeline_mode = #tpu.pipeline_mode<synchronous>, transform_indices = @transform_11, window_bounds = array<i64: 1, 128>}, {pipeline_mode = #tpu.pipeline_mode<synchronous>, transform_indices = @transform_12, window_bounds = array<i64: 128, 128>}, {transform_indices = @transform_13, window_bounds = array<i64: 8, 128>}, {transform_indices = @transform_14, window_bounds = array<i64: 8, 128>}]} {
    %get3A = arith.constant 0 : index
    %get3A_0 = arith.constant 0 : index
    %get3A_1 = vector.load %arg7[%get3A, %get3A_0] : memref<128x128xf32, #tpu.memory_space<vmem>>, vector<128x128xf32>
    %get3A_2 = arith.constant 0 : index
    %get3A_3 = arith.constant 0 : index
    %get3A_4 = vector.load %arg9[%get3A_2, %get3A_3] : memref<128x128xf32, #tpu.memory_space<vmem>>, vector<128x128xf32>
    %get3A_5 = arith.constant 0 : index
    %get3A_6 = arith.constant 0 : index
    %get3A_7 = vector.load %arg11[%get3A_5, %get3A_6] : memref<128x128xf32, #tpu.memory_space<vmem>>, vector<128x128xf32>
    %get3A_8 = arith.constant 0 : index
    %get3A_9 = arith.constant 0 : index
    %get3A_10 = vector.load %arg8[%get3A_8, %get3A_9] : memref<1x128xf32, #tpu.memory_space<vmem>>, vector<1x128xf32>
    %get3A_11 = arith.constant 0 : index
    %get3A_12 = arith.constant 0 : index
    %get3A_13 = vector.load %arg10[%get3A_11, %get3A_12] : memref<1x128xf32, #tpu.memory_space<vmem>>, vector<1x128xf32>
    %get3A_14 = arith.constant 0 : index
    %get3A_15 = arith.constant 0 : index
    %get3A_16 = vector.load %arg12[%get3A_14, %get3A_15] : memref<1x128xf32, #tpu.memory_space<vmem>>, vector<1x128xf32>
    %get3A_17 = arith.constant 0 : index
    %get3A_18 = arith.constant 0 : index
    %get3A_19 = vector.load %arg13[%get3A_17, %get3A_18] : memref<128x128xf32, #tpu.memory_space<vmem>>, vector<128x128xf32>
    %get3A_20 = arith.constant 0 : index
    %get3A_21 = arith.constant 0 : index
    %get3A_22 = arith.constant 0 : index
    %get3A_23 = vector.load %arg1[%get3A_20, %get3A_21, %get3A_22] : memref<8x80x128xf32, #tpu.memory_space<vmem>>, vector<8x80x128xf32>
    %get3A_24 = arith.constant 0 : index
    %get3A_25 = arith.constant 0 : index
    %get3A_26 = arith.constant 0 : index
    %get3A_27 = vector.load %arg3[%get3A_24, %get3A_25, %get3A_26] : memref<8x80x80xf32, #tpu.memory_space<vmem>>, vector<8x80x80xf32>
    %get3A_28 = arith.constant 0 : index
    %get3A_29 = arith.constant 0 : index
    %get3A_30 = vector.load %arg5[%get3A_28, %get3A_29] : memref<8x128xf32, #tpu.memory_space<vmem>>, vector<8x128xf32>
    %reshape3A = vector.shape_cast %get3A_23 : vector<8x80x128xf32> to vector<640x128xf32>
    %iota3A = tpu.iota {dimensions = array<i32: 0>} : vector<80x80xi32>
    %iota3A_31 = tpu.iota {dimensions = array<i32: 1>} : vector<80x80xi32>
    %eq3A = arith.cmpi eq, %iota3A, %iota3A_31 : vector<80x80xi32>
    %jit3A = arith.constant 1.000000e+00 : f32
    %jit3A_32 = arith.constant 0.000000e+00 : f32
    %broadcast_in_dim3A = vector.broadcast %jit3A : f32 to vector<80x80xf32>
    %broadcast_in_dim3A_33 = vector.broadcast %jit3A_32 : f32 to vector<80x80xf32>
    %select_n3A = arith.select %eq3A, %broadcast_in_dim3A, %broadcast_in_dim3A_33 : vector<80x80xi1>, vector<80x80xf32>
    %slice3A = vector.extract_strided_slice %get3A_27 {offsets = [0, 0, 0], sizes = [1, 80, 80], strides = [1, 1, 1]} : vector<8x80x80xf32> to vector<1x80x80xf32>
    %squeeze3A = vector.shape_cast %slice3A : vector<1x80x80xf32> to vector<80x80xf32>
    %add3A = arith.addf %squeeze3A, %select_n3A : vector<80x80xf32>
    %reduce_sum3A = arith.constant dense<0.000000e+00> : vector<80xf32>
    %reduce_sum3A_34 = vector.multi_reduction <add>, %add3A, %reduce_sum3A [1] : vector<80x80xf32> to vector<80xf32>
    %broadcast_in_dim3A_35 = vector.shape_cast %reduce_sum3A_34 : vector<80xf32> to vector<80x1xf32>
    %rsqrt3A = math.rsqrt %broadcast_in_dim3A_35 : vector<80x1xf32>
    %slice3A_36 = vector.extract_strided_slice %get3A_27 {offsets = [1, 0, 0], sizes = [1, 80, 80], strides = [1, 1, 1]} : vector<8x80x80xf32> to vector<1x80x80xf32>
    %squeeze3A_37 = vector.shape_cast %slice3A_36 : vector<1x80x80xf32> to vector<80x80xf32>
    %add3A_38 = arith.addf %squeeze3A_37, %select_n3A : vector<80x80xf32>
    %reduce_sum3A_39 = arith.constant dense<0.000000e+00> : vector<80xf32>
    %reduce_sum3A_40 = vector.multi_reduction <add>, %add3A_38, %reduce_sum3A_39 [1] : vector<80x80xf32> to vector<80xf32>
    %broadcast_in_dim3A_41 = vector.shape_cast %reduce_sum3A_40 : vector<80xf32> to vector<80x1xf32>
    %rsqrt3A_42 = math.rsqrt %broadcast_in_dim3A_41 : vector<80x1xf32>
    %slice3A_43 = vector.extract_strided_slice %get3A_27 {offsets = [2, 0, 0], sizes = [1, 80, 80], strides = [1, 1, 1]} : vector<8x80x80xf32> to vector<1x80x80xf32>
    %squeeze3A_44 = vector.shape_cast %slice3A_43 : vector<1x80x80xf32> to vector<80x80xf32>
    %add3A_45 = arith.addf %squeeze3A_44, %select_n3A : vector<80x80xf32>
    %reduce_sum3A_46 = arith.constant dense<0.000000e+00> : vector<80xf32>
    %reduce_sum3A_47 = vector.multi_reduction <add>, %add3A_45, %reduce_sum3A_46 [1] : vector<80x80xf32> to vector<80xf32>
    %broadcast_in_dim3A_48 = vector.shape_cast %reduce_sum3A_47 : vector<80xf32> to vector<80x1xf32>
    %rsqrt3A_49 = math.rsqrt %broadcast_in_dim3A_48 : vector<80x1xf32>
    %slice3A_50 = vector.extract_strided_slice %get3A_27 {offsets = [3, 0, 0], sizes = [1, 80, 80], strides = [1, 1, 1]} : vector<8x80x80xf32> to vector<1x80x80xf32>
    %squeeze3A_51 = vector.shape_cast %slice3A_50 : vector<1x80x80xf32> to vector<80x80xf32>
    %add3A_52 = arith.addf %squeeze3A_51, %select_n3A : vector<80x80xf32>
    %reduce_sum3A_53 = arith.constant dense<0.000000e+00> : vector<80xf32>
    %reduce_sum3A_54 = vector.multi_reduction <add>, %add3A_52, %reduce_sum3A_53 [1] : vector<80x80xf32> to vector<80xf32>
    %broadcast_in_dim3A_55 = vector.shape_cast %reduce_sum3A_54 : vector<80xf32> to vector<80x1xf32>
    %rsqrt3A_56 = math.rsqrt %broadcast_in_dim3A_55 : vector<80x1xf32>
    %slice3A_57 = vector.extract_strided_slice %get3A_27 {offsets = [4, 0, 0], sizes = [1, 80, 80], strides = [1, 1, 1]} : vector<8x80x80xf32> to vector<1x80x80xf32>
    %squeeze3A_58 = vector.shape_cast %slice3A_57 : vector<1x80x80xf32> to vector<80x80xf32>
    %add3A_59 = arith.addf %squeeze3A_58, %select_n3A : vector<80x80xf32>
    %reduce_sum3A_60 = arith.constant dense<0.000000e+00> : vector<80xf32>
    %reduce_sum3A_61 = vector.multi_reduction <add>, %add3A_59, %reduce_sum3A_60 [1] : vector<80x80xf32> to vector<80xf32>
    %broadcast_in_dim3A_62 = vector.shape_cast %reduce_sum3A_61 : vector<80xf32> to vector<80x1xf32>
    %rsqrt3A_63 = math.rsqrt %broadcast_in_dim3A_62 : vector<80x1xf32>
    %slice3A_64 = vector.extract_strided_slice %get3A_27 {offsets = [5, 0, 0], sizes = [1, 80, 80], strides = [1, 1, 1]} : vector<8x80x80xf32> to vector<1x80x80xf32>
    %squeeze3A_65 = vector.shape_cast %slice3A_64 : vector<1x80x80xf32> to vector<80x80xf32>
    %add3A_66 = arith.addf %squeeze3A_65, %select_n3A : vector<80x80xf32>
    %reduce_sum3A_67 = arith.constant dense<0.000000e+00> : vector<80xf32>
    %reduce_sum3A_68 = vector.multi_reduction <add>, %add3A_66, %reduce_sum3A_67 [1] : vector<80x80xf32> to vector<80xf32>
    %broadcast_in_dim3A_69 = vector.shape_cast %reduce_sum3A_68 : vector<80xf32> to vector<80x1xf32>
    %rsqrt3A_70 = math.rsqrt %broadcast_in_dim3A_69 : vector<80x1xf32>
    %slice3A_71 = vector.extract_strided_slice %get3A_27 {offsets = [6, 0, 0], sizes = [1, 80, 80], strides = [1, 1, 1]} : vector<8x80x80xf32> to vector<1x80x80xf32>
    %squeeze3A_72 = vector.shape_cast %slice3A_71 : vector<1x80x80xf32> to vector<80x80xf32>
    %add3A_73 = arith.addf %squeeze3A_72, %select_n3A : vector<80x80xf32>
    %reduce_sum3A_74 = arith.constant dense<0.000000e+00> : vector<80xf32>
    %reduce_sum3A_75 = vector.multi_reduction <add>, %add3A_73, %reduce_sum3A_74 [1] : vector<80x80xf32> to vector<80xf32>
    %broadcast_in_dim3A_76 = vector.shape_cast %reduce_sum3A_75 : vector<80xf32> to vector<80x1xf32>
    %rsqrt3A_77 = math.rsqrt %broadcast_in_dim3A_76 : vector<80x1xf32>
    %slice3A_78 = vector.extract_strided_slice %get3A_27 {offsets = [7, 0, 0], sizes = [1, 80, 80], strides = [1, 1, 1]} : vector<8x80x80xf32> to vector<1x80x80xf32>
    %squeeze3A_79 = vector.shape_cast %slice3A_78 : vector<1x80x80xf32> to vector<80x80xf32>
    %add3A_80 = arith.addf %squeeze3A_79, %select_n3A : vector<80x80xf32>
    %reduce_sum3A_81 = arith.constant dense<0.000000e+00> : vector<80xf32>
    %reduce_sum3A_82 = vector.multi_reduction <add>, %add3A_80, %reduce_sum3A_81 [1] : vector<80x80xf32> to vector<80xf32>
    %broadcast_in_dim3A_83 = vector.shape_cast %reduce_sum3A_82 : vector<80xf32> to vector<80x1xf32>
    %rsqrt3A_84 = math.rsqrt %broadcast_in_dim3A_83 : vector<80x1xf32>
    %dot_general3A = arith.constant dense<0.000000e+00> : vector<640x128xf32>
    %dot_general3A_85 = tpu.matmul %reshape3A, %get3A_1, %dot_general3A {dimension_numbers = #tpu.dot_dimension_numbers<[1], [0], [0], [1], [0, 0, 1, 1], [], []>, precision = #tpu.contract_precision<fp32>, transpose_lhs_hint = false} : vector<640x128xf32>, vector<128x128xf32>, vector<640x128xf32> -> vector<640x128xf32>
    %slice3A_86 = vector.extract_strided_slice %dot_general3A_85 {offsets = [0, 0], sizes = [80, 128], strides = [1, 1]} : vector<640x128xf32> to vector<80x128xf32>
    %mul3A = vector.broadcast %rsqrt3A : vector<80x1xf32> to vector<80x128xf32>
    %mul3A_87 = arith.mulf %mul3A, %slice3A_86 : vector<80x128xf32>
    %dot_general3A_88 = arith.constant dense<0.000000e+00> : vector<80x128xf32>
    %dot_general3A_89 = tpu.matmul %add3A, %mul3A_87, %dot_general3A_88 {dimension_numbers = #tpu.dot_dimension_numbers<[1], [0], [0], [1], [0, 0, 1, 1], [], []>, precision = #tpu.contract_precision<fp32>, transpose_lhs_hint = false} : vector<80x80xf32>, vector<80x128xf32>, vector<80x128xf32> -> vector<80x128xf32>
    %mul3A_90 = vector.broadcast %rsqrt3A : vector<80x1xf32> to vector<80x128xf32>
    %mul3A_91 = arith.mulf %mul3A_90, %dot_general3A_89 : vector<80x128xf32>
    %slice3A_92 = vector.extract_strided_slice %dot_general3A_85 {offsets = [80, 0], sizes = [80, 128], strides = [1, 1]} : vector<640x128xf32> to vector<80x128xf32>
    %mul3A_93 = vector.broadcast %rsqrt3A_42 : vector<80x1xf32> to vector<80x128xf32>
    %mul3A_94 = arith.mulf %mul3A_93, %slice3A_92 : vector<80x128xf32>
    %dot_general3A_95 = arith.constant dense<0.000000e+00> : vector<80x128xf32>
    %dot_general3A_96 = tpu.matmul %add3A_38, %mul3A_94, %dot_general3A_95 {dimension_numbers = #tpu.dot_dimension_numbers<[1], [0], [0], [1], [0, 0, 1, 1], [], []>, precision = #tpu.contract_precision<fp32>, transpose_lhs_hint = false} : vector<80x80xf32>, vector<80x128xf32>, vector<80x128xf32> -> vector<80x128xf32>
    %mul3A_97 = vector.broadcast %rsqrt3A_42 : vector<80x1xf32> to vector<80x128xf32>
    %mul3A_98 = arith.mulf %mul3A_97, %dot_general3A_96 : vector<80x128xf32>
    %slice3A_99 = vector.extract_strided_slice %dot_general3A_85 {offsets = [160, 0], sizes = [80, 128], strides = [1, 1]} : vector<640x128xf32> to vector<80x128xf32>
    %mul3A_100 = vector.broadcast %rsqrt3A_49 : vector<80x1xf32> to vector<80x128xf32>
    %mul3A_101 = arith.mulf %mul3A_100, %slice3A_99 : vector<80x128xf32>
    %dot_general3A_102 = arith.constant dense<0.000000e+00> : vector<80x128xf32>
    %dot_general3A_103 = tpu.matmul %add3A_45, %mul3A_101, %dot_general3A_102 {dimension_numbers = #tpu.dot_dimension_numbers<[1], [0], [0], [1], [0, 0, 1, 1], [], []>, precision = #tpu.contract_precision<fp32>, transpose_lhs_hint = false} : vector<80x80xf32>, vector<80x128xf32>, vector<80x128xf32> -> vector<80x128xf32>
    %mul3A_104 = vector.broadcast %rsqrt3A_49 : vector<80x1xf32> to vector<80x128xf32>
    %mul3A_105 = arith.mulf %mul3A_104, %dot_general3A_103 : vector<80x128xf32>
    %slice3A_106 = vector.extract_strided_slice %dot_general3A_85 {offsets = [240, 0], sizes = [80, 128], strides = [1, 1]} : vector<640x128xf32> to vector<80x128xf32>
    %mul3A_107 = vector.broadcast %rsqrt3A_56 : vector<80x1xf32> to vector<80x128xf32>
    %mul3A_108 = arith.mulf %mul3A_107, %slice3A_106 : vector<80x128xf32>
    %dot_general3A_109 = arith.constant dense<0.000000e+00> : vector<80x128xf32>
    %dot_general3A_110 = tpu.matmul %add3A_52, %mul3A_108, %dot_general3A_109 {dimension_numbers = #tpu.dot_dimension_numbers<[1], [0], [0], [1], [0, 0, 1, 1], [], []>, precision = #tpu.contract_precision<fp32>, transpose_lhs_hint = false} : vector<80x80xf32>, vector<80x128xf32>, vector<80x128xf32> -> vector<80x128xf32>
    %mul3A_111 = vector.broadcast %rsqrt3A_56 : vector<80x1xf32> to vector<80x128xf32>
    %mul3A_112 = arith.mulf %mul3A_111, %dot_general3A_110 : vector<80x128xf32>
    %slice3A_113 = vector.extract_strided_slice %dot_general3A_85 {offsets = [320, 0], sizes = [80, 128], strides = [1, 1]} : vector<640x128xf32> to vector<80x128xf32>
    %mul3A_114 = vector.broadcast %rsqrt3A_63 : vector<80x1xf32> to vector<80x128xf32>
    %mul3A_115 = arith.mulf %mul3A_114, %slice3A_113 : vector<80x128xf32>
    %dot_general3A_116 = arith.constant dense<0.000000e+00> : vector<80x128xf32>
    %dot_general3A_117 = tpu.matmul %add3A_59, %mul3A_115, %dot_general3A_116 {dimension_numbers = #tpu.dot_dimension_numbers<[1], [0], [0], [1], [0, 0, 1, 1], [], []>, precision = #tpu.contract_precision<fp32>, transpose_lhs_hint = false} : vector<80x80xf32>, vector<80x128xf32>, vector<80x128xf32> -> vector<80x128xf32>
    %mul3A_118 = vector.broadcast %rsqrt3A_63 : vector<80x1xf32> to vector<80x128xf32>
    %mul3A_119 = arith.mulf %mul3A_118, %dot_general3A_117 : vector<80x128xf32>
    %slice3A_120 = vector.extract_strided_slice %dot_general3A_85 {offsets = [400, 0], sizes = [80, 128], strides = [1, 1]} : vector<640x128xf32> to vector<80x128xf32>
    %mul3A_121 = vector.broadcast %rsqrt3A_70 : vector<80x1xf32> to vector<80x128xf32>
    %mul3A_122 = arith.mulf %mul3A_121, %slice3A_120 : vector<80x128xf32>
    %dot_general3A_123 = arith.constant dense<0.000000e+00> : vector<80x128xf32>
    %dot_general3A_124 = tpu.matmul %add3A_66, %mul3A_122, %dot_general3A_123 {dimension_numbers = #tpu.dot_dimension_numbers<[1], [0], [0], [1], [0, 0, 1, 1], [], []>, precision = #tpu.contract_precision<fp32>, transpose_lhs_hint = false} : vector<80x80xf32>, vector<80x128xf32>, vector<80x128xf32> -> vector<80x128xf32>
    %mul3A_125 = vector.broadcast %rsqrt3A_70 : vector<80x1xf32> to vector<80x128xf32>
    %mul3A_126 = arith.mulf %mul3A_125, %dot_general3A_124 : vector<80x128xf32>
    %slice3A_127 = vector.extract_strided_slice %dot_general3A_85 {offsets = [480, 0], sizes = [80, 128], strides = [1, 1]} : vector<640x128xf32> to vector<80x128xf32>
    %mul3A_128 = vector.broadcast %rsqrt3A_77 : vector<80x1xf32> to vector<80x128xf32>
    %mul3A_129 = arith.mulf %mul3A_128, %slice3A_127 : vector<80x128xf32>
    %dot_general3A_130 = arith.constant dense<0.000000e+00> : vector<80x128xf32>
    %dot_general3A_131 = tpu.matmul %add3A_73, %mul3A_129, %dot_general3A_130 {dimension_numbers = #tpu.dot_dimension_numbers<[1], [0], [0], [1], [0, 0, 1, 1], [], []>, precision = #tpu.contract_precision<fp32>, transpose_lhs_hint = false} : vector<80x80xf32>, vector<80x128xf32>, vector<80x128xf32> -> vector<80x128xf32>
    %mul3A_132 = vector.broadcast %rsqrt3A_77 : vector<80x1xf32> to vector<80x128xf32>
    %mul3A_133 = arith.mulf %mul3A_132, %dot_general3A_131 : vector<80x128xf32>
    %slice3A_134 = vector.extract_strided_slice %dot_general3A_85 {offsets = [560, 0], sizes = [80, 128], strides = [1, 1]} : vector<640x128xf32> to vector<80x128xf32>
    %mul3A_135 = vector.broadcast %rsqrt3A_84 : vector<80x1xf32> to vector<80x128xf32>
    %mul3A_136 = arith.mulf %mul3A_135, %slice3A_134 : vector<80x128xf32>
    %dot_general3A_137 = arith.constant dense<0.000000e+00> : vector<80x128xf32>
    %dot_general3A_138 = tpu.matmul %add3A_80, %mul3A_136, %dot_general3A_137 {dimension_numbers = #tpu.dot_dimension_numbers<[1], [0], [0], [1], [0, 0, 1, 1], [], []>, precision = #tpu.contract_precision<fp32>, transpose_lhs_hint = false} : vector<80x80xf32>, vector<80x128xf32>, vector<80x128xf32> -> vector<80x128xf32>
    %mul3A_139 = vector.broadcast %rsqrt3A_84 : vector<80x1xf32> to vector<80x128xf32>
    %mul3A_140 = arith.mulf %mul3A_139, %dot_general3A_138 : vector<80x128xf32>
    %concatenate3A = tpu.concatenate %mul3A_91, %mul3A_98, %mul3A_105, %mul3A_112, %mul3A_119, %mul3A_126, %mul3A_133, %mul3A_140 in 0 : vector<80x128xf32>, vector<80x128xf32>, vector<80x128xf32>, vector<80x128xf32>, vector<80x128xf32>, vector<80x128xf32>, vector<80x128xf32>, vector<80x128xf32> -> vector<640x128xf32>
    %add3A_141 = vector.broadcast %get3A_10 : vector<1x128xf32> to vector<640x128xf32>
    %add3A_142 = arith.addf %concatenate3A, %add3A_141 : vector<640x128xf32>
    %max3A = arith.constant 0.000000e+00 : f32
    %max3A_143 = vector.broadcast %max3A : f32 to vector<640x128xf32>
    %max3A_144 = arith.maximumf %add3A_142, %max3A_143 : vector<640x128xf32>
    %dot_general3A_145 = arith.constant dense<0.000000e+00> : vector<640x128xf32>
    %dot_general3A_146 = tpu.matmul %max3A_144, %get3A_4, %dot_general3A_145 {dimension_numbers = #tpu.dot_dimension_numbers<[1], [0], [0], [1], [0, 0, 1, 1], [], []>, precision = #tpu.contract_precision<fp32>, transpose_lhs_hint = false} : vector<640x128xf32>, vector<128x128xf32>, vector<640x128xf32> -> vector<640x128xf32>
    %slice3A_147 = vector.extract_strided_slice %dot_general3A_146 {offsets = [0, 0], sizes = [80, 128], strides = [1, 1]} : vector<640x128xf32> to vector<80x128xf32>
    %mul3A_148 = vector.broadcast %rsqrt3A : vector<80x1xf32> to vector<80x128xf32>
    %mul3A_149 = arith.mulf %mul3A_148, %slice3A_147 : vector<80x128xf32>
    %dot_general3A_150 = arith.constant dense<0.000000e+00> : vector<80x128xf32>
    %dot_general3A_151 = tpu.matmul %add3A, %mul3A_149, %dot_general3A_150 {dimension_numbers = #tpu.dot_dimension_numbers<[1], [0], [0], [1], [0, 0, 1, 1], [], []>, precision = #tpu.contract_precision<fp32>, transpose_lhs_hint = false} : vector<80x80xf32>, vector<80x128xf32>, vector<80x128xf32> -> vector<80x128xf32>
    %mul3A_152 = vector.broadcast %rsqrt3A : vector<80x1xf32> to vector<80x128xf32>
    %mul3A_153 = arith.mulf %mul3A_152, %dot_general3A_151 : vector<80x128xf32>
    %slice3A_154 = vector.extract_strided_slice %dot_general3A_146 {offsets = [80, 0], sizes = [80, 128], strides = [1, 1]} : vector<640x128xf32> to vector<80x128xf32>
    %mul3A_155 = vector.broadcast %rsqrt3A_42 : vector<80x1xf32> to vector<80x128xf32>
    %mul3A_156 = arith.mulf %mul3A_155, %slice3A_154 : vector<80x128xf32>
    %dot_general3A_157 = arith.constant dense<0.000000e+00> : vector<80x128xf32>
    %dot_general3A_158 = tpu.matmul %add3A_38, %mul3A_156, %dot_general3A_157 {dimension_numbers = #tpu.dot_dimension_numbers<[1], [0], [0], [1], [0, 0, 1, 1], [], []>, precision = #tpu.contract_precision<fp32>, transpose_lhs_hint = false} : vector<80x80xf32>, vector<80x128xf32>, vector<80x128xf32> -> vector<80x128xf32>
    %mul3A_159 = vector.broadcast %rsqrt3A_42 : vector<80x1xf32> to vector<80x128xf32>
    %mul3A_160 = arith.mulf %mul3A_159, %dot_general3A_158 : vector<80x128xf32>
    %slice3A_161 = vector.extract_strided_slice %dot_general3A_146 {offsets = [160, 0], sizes = [80, 128], strides = [1, 1]} : vector<640x128xf32> to vector<80x128xf32>
    %mul3A_162 = vector.broadcast %rsqrt3A_49 : vector<80x1xf32> to vector<80x128xf32>
    %mul3A_163 = arith.mulf %mul3A_162, %slice3A_161 : vector<80x128xf32>
    %dot_general3A_164 = arith.constant dense<0.000000e+00> : vector<80x128xf32>
    %dot_general3A_165 = tpu.matmul %add3A_45, %mul3A_163, %dot_general3A_164 {dimension_numbers = #tpu.dot_dimension_numbers<[1], [0], [0], [1], [0, 0, 1, 1], [], []>, precision = #tpu.contract_precision<fp32>, transpose_lhs_hint = false} : vector<80x80xf32>, vector<80x128xf32>, vector<80x128xf32> -> vector<80x128xf32>
    %mul3A_166 = vector.broadcast %rsqrt3A_49 : vector<80x1xf32> to vector<80x128xf32>
    %mul3A_167 = arith.mulf %mul3A_166, %dot_general3A_165 : vector<80x128xf32>
    %slice3A_168 = vector.extract_strided_slice %dot_general3A_146 {offsets = [240, 0], sizes = [80, 128], strides = [1, 1]} : vector<640x128xf32> to vector<80x128xf32>
    %mul3A_169 = vector.broadcast %rsqrt3A_56 : vector<80x1xf32> to vector<80x128xf32>
    %mul3A_170 = arith.mulf %mul3A_169, %slice3A_168 : vector<80x128xf32>
    %dot_general3A_171 = arith.constant dense<0.000000e+00> : vector<80x128xf32>
    %dot_general3A_172 = tpu.matmul %add3A_52, %mul3A_170, %dot_general3A_171 {dimension_numbers = #tpu.dot_dimension_numbers<[1], [0], [0], [1], [0, 0, 1, 1], [], []>, precision = #tpu.contract_precision<fp32>, transpose_lhs_hint = false} : vector<80x80xf32>, vector<80x128xf32>, vector<80x128xf32> -> vector<80x128xf32>
    %mul3A_173 = vector.broadcast %rsqrt3A_56 : vector<80x1xf32> to vector<80x128xf32>
    %mul3A_174 = arith.mulf %mul3A_173, %dot_general3A_172 : vector<80x128xf32>
    %slice3A_175 = vector.extract_strided_slice %dot_general3A_146 {offsets = [320, 0], sizes = [80, 128], strides = [1, 1]} : vector<640x128xf32> to vector<80x128xf32>
    %mul3A_176 = vector.broadcast %rsqrt3A_63 : vector<80x1xf32> to vector<80x128xf32>
    %mul3A_177 = arith.mulf %mul3A_176, %slice3A_175 : vector<80x128xf32>
    %dot_general3A_178 = arith.constant dense<0.000000e+00> : vector<80x128xf32>
    %dot_general3A_179 = tpu.matmul %add3A_59, %mul3A_177, %dot_general3A_178 {dimension_numbers = #tpu.dot_dimension_numbers<[1], [0], [0], [1], [0, 0, 1, 1], [], []>, precision = #tpu.contract_precision<fp32>, transpose_lhs_hint = false} : vector<80x80xf32>, vector<80x128xf32>, vector<80x128xf32> -> vector<80x128xf32>
    %mul3A_180 = vector.broadcast %rsqrt3A_63 : vector<80x1xf32> to vector<80x128xf32>
    %mul3A_181 = arith.mulf %mul3A_180, %dot_general3A_179 : vector<80x128xf32>
    %slice3A_182 = vector.extract_strided_slice %dot_general3A_146 {offsets = [400, 0], sizes = [80, 128], strides = [1, 1]} : vector<640x128xf32> to vector<80x128xf32>
    %mul3A_183 = vector.broadcast %rsqrt3A_70 : vector<80x1xf32> to vector<80x128xf32>
    %mul3A_184 = arith.mulf %mul3A_183, %slice3A_182 : vector<80x128xf32>
    %dot_general3A_185 = arith.constant dense<0.000000e+00> : vector<80x128xf32>
    %dot_general3A_186 = tpu.matmul %add3A_66, %mul3A_184, %dot_general3A_185 {dimension_numbers = #tpu.dot_dimension_numbers<[1], [0], [0], [1], [0, 0, 1, 1], [], []>, precision = #tpu.contract_precision<fp32>, transpose_lhs_hint = false} : vector<80x80xf32>, vector<80x128xf32>, vector<80x128xf32> -> vector<80x128xf32>
    %mul3A_187 = vector.broadcast %rsqrt3A_70 : vector<80x1xf32> to vector<80x128xf32>
    %mul3A_188 = arith.mulf %mul3A_187, %dot_general3A_186 : vector<80x128xf32>
    %slice3A_189 = vector.extract_strided_slice %dot_general3A_146 {offsets = [480, 0], sizes = [80, 128], strides = [1, 1]} : vector<640x128xf32> to vector<80x128xf32>
    %mul3A_190 = vector.broadcast %rsqrt3A_77 : vector<80x1xf32> to vector<80x128xf32>
    %mul3A_191 = arith.mulf %mul3A_190, %slice3A_189 : vector<80x128xf32>
    %dot_general3A_192 = arith.constant dense<0.000000e+00> : vector<80x128xf32>
    %dot_general3A_193 = tpu.matmul %add3A_73, %mul3A_191, %dot_general3A_192 {dimension_numbers = #tpu.dot_dimension_numbers<[1], [0], [0], [1], [0, 0, 1, 1], [], []>, precision = #tpu.contract_precision<fp32>, transpose_lhs_hint = false} : vector<80x80xf32>, vector<80x128xf32>, vector<80x128xf32> -> vector<80x128xf32>
    %mul3A_194 = vector.broadcast %rsqrt3A_77 : vector<80x1xf32> to vector<80x128xf32>
    %mul3A_195 = arith.mulf %mul3A_194, %dot_general3A_193 : vector<80x128xf32>
    %slice3A_196 = vector.extract_strided_slice %dot_general3A_146 {offsets = [560, 0], sizes = [80, 128], strides = [1, 1]} : vector<640x128xf32> to vector<80x128xf32>
    %mul3A_197 = vector.broadcast %rsqrt3A_84 : vector<80x1xf32> to vector<80x128xf32>
    %mul3A_198 = arith.mulf %mul3A_197, %slice3A_196 : vector<80x128xf32>
    %dot_general3A_199 = arith.constant dense<0.000000e+00> : vector<80x128xf32>
    %dot_general3A_200 = tpu.matmul %add3A_80, %mul3A_198, %dot_general3A_199 {dimension_numbers = #tpu.dot_dimension_numbers<[1], [0], [0], [1], [0, 0, 1, 1], [], []>, precision = #tpu.contract_precision<fp32>, transpose_lhs_hint = false} : vector<80x80xf32>, vector<80x128xf32>, vector<80x128xf32> -> vector<80x128xf32>
    %mul3A_201 = vector.broadcast %rsqrt3A_84 : vector<80x1xf32> to vector<80x128xf32>
    %mul3A_202 = arith.mulf %mul3A_201, %dot_general3A_200 : vector<80x128xf32>
    %concatenate3A_203 = tpu.concatenate %mul3A_153, %mul3A_160, %mul3A_167, %mul3A_174, %mul3A_181, %mul3A_188, %mul3A_195, %mul3A_202 in 0 : vector<80x128xf32>, vector<80x128xf32>, vector<80x128xf32>, vector<80x128xf32>, vector<80x128xf32>, vector<80x128xf32>, vector<80x128xf32>, vector<80x128xf32> -> vector<640x128xf32>
    %add3A_204 = vector.broadcast %get3A_13 : vector<1x128xf32> to vector<640x128xf32>
    %add3A_205 = arith.addf %concatenate3A_203, %add3A_204 : vector<640x128xf32>
    %max3A_206 = arith.constant 0.000000e+00 : f32
    %max3A_207 = vector.broadcast %max3A_206 : f32 to vector<640x128xf32>
    %max3A_208 = arith.maximumf %add3A_205, %max3A_207 : vector<640x128xf32>
    %dot_general3A_209 = arith.constant dense<0.000000e+00> : vector<640x128xf32>
    %dot_general3A_210 = tpu.matmul %max3A_208, %get3A_7, %dot_general3A_209 {dimension_numbers = #tpu.dot_dimension_numbers<[1], [0], [0], [1], [0, 0, 1, 1], [], []>, precision = #tpu.contract_precision<fp32>, transpose_lhs_hint = false} : vector<640x128xf32>, vector<128x128xf32>, vector<640x128xf32> -> vector<640x128xf32>
    %slice3A_211 = vector.extract_strided_slice %dot_general3A_210 {offsets = [0, 0], sizes = [80, 128], strides = [1, 1]} : vector<640x128xf32> to vector<80x128xf32>
    %mul3A_212 = vector.broadcast %rsqrt3A : vector<80x1xf32> to vector<80x128xf32>
    %mul3A_213 = arith.mulf %mul3A_212, %slice3A_211 : vector<80x128xf32>
    %dot_general3A_214 = arith.constant dense<0.000000e+00> : vector<80x128xf32>
    %dot_general3A_215 = tpu.matmul %add3A, %mul3A_213, %dot_general3A_214 {dimension_numbers = #tpu.dot_dimension_numbers<[1], [0], [0], [1], [0, 0, 1, 1], [], []>, precision = #tpu.contract_precision<fp32>, transpose_lhs_hint = false} : vector<80x80xf32>, vector<80x128xf32>, vector<80x128xf32> -> vector<80x128xf32>
    %mul3A_216 = vector.broadcast %rsqrt3A : vector<80x1xf32> to vector<80x128xf32>
    %mul3A_217 = arith.mulf %mul3A_216, %dot_general3A_215 : vector<80x128xf32>
    %slice3A_218 = vector.extract_strided_slice %dot_general3A_210 {offsets = [80, 0], sizes = [80, 128], strides = [1, 1]} : vector<640x128xf32> to vector<80x128xf32>
    %mul3A_219 = vector.broadcast %rsqrt3A_42 : vector<80x1xf32> to vector<80x128xf32>
    %mul3A_220 = arith.mulf %mul3A_219, %slice3A_218 : vector<80x128xf32>
    %dot_general3A_221 = arith.constant dense<0.000000e+00> : vector<80x128xf32>
    %dot_general3A_222 = tpu.matmul %add3A_38, %mul3A_220, %dot_general3A_221 {dimension_numbers = #tpu.dot_dimension_numbers<[1], [0], [0], [1], [0, 0, 1, 1], [], []>, precision = #tpu.contract_precision<fp32>, transpose_lhs_hint = false} : vector<80x80xf32>, vector<80x128xf32>, vector<80x128xf32> -> vector<80x128xf32>
    %mul3A_223 = vector.broadcast %rsqrt3A_42 : vector<80x1xf32> to vector<80x128xf32>
    %mul3A_224 = arith.mulf %mul3A_223, %dot_general3A_222 : vector<80x128xf32>
    %slice3A_225 = vector.extract_strided_slice %dot_general3A_210 {offsets = [160, 0], sizes = [80, 128], strides = [1, 1]} : vector<640x128xf32> to vector<80x128xf32>
    %mul3A_226 = vector.broadcast %rsqrt3A_49 : vector<80x1xf32> to vector<80x128xf32>
    %mul3A_227 = arith.mulf %mul3A_226, %slice3A_225 : vector<80x128xf32>
    %dot_general3A_228 = arith.constant dense<0.000000e+00> : vector<80x128xf32>
    %dot_general3A_229 = tpu.matmul %add3A_45, %mul3A_227, %dot_general3A_228 {dimension_numbers = #tpu.dot_dimension_numbers<[1], [0], [0], [1], [0, 0, 1, 1], [], []>, precision = #tpu.contract_precision<fp32>, transpose_lhs_hint = false} : vector<80x80xf32>, vector<80x128xf32>, vector<80x128xf32> -> vector<80x128xf32>
    %mul3A_230 = vector.broadcast %rsqrt3A_49 : vector<80x1xf32> to vector<80x128xf32>
    %mul3A_231 = arith.mulf %mul3A_230, %dot_general3A_229 : vector<80x128xf32>
    %slice3A_232 = vector.extract_strided_slice %dot_general3A_210 {offsets = [240, 0], sizes = [80, 128], strides = [1, 1]} : vector<640x128xf32> to vector<80x128xf32>
    %mul3A_233 = vector.broadcast %rsqrt3A_56 : vector<80x1xf32> to vector<80x128xf32>
    %mul3A_234 = arith.mulf %mul3A_233, %slice3A_232 : vector<80x128xf32>
    %dot_general3A_235 = arith.constant dense<0.000000e+00> : vector<80x128xf32>
    %dot_general3A_236 = tpu.matmul %add3A_52, %mul3A_234, %dot_general3A_235 {dimension_numbers = #tpu.dot_dimension_numbers<[1], [0], [0], [1], [0, 0, 1, 1], [], []>, precision = #tpu.contract_precision<fp32>, transpose_lhs_hint = false} : vector<80x80xf32>, vector<80x128xf32>, vector<80x128xf32> -> vector<80x128xf32>
    %mul3A_237 = vector.broadcast %rsqrt3A_56 : vector<80x1xf32> to vector<80x128xf32>
    %mul3A_238 = arith.mulf %mul3A_237, %dot_general3A_236 : vector<80x128xf32>
    %slice3A_239 = vector.extract_strided_slice %dot_general3A_210 {offsets = [320, 0], sizes = [80, 128], strides = [1, 1]} : vector<640x128xf32> to vector<80x128xf32>
    %mul3A_240 = vector.broadcast %rsqrt3A_63 : vector<80x1xf32> to vector<80x128xf32>
    %mul3A_241 = arith.mulf %mul3A_240, %slice3A_239 : vector<80x128xf32>
    %dot_general3A_242 = arith.constant dense<0.000000e+00> : vector<80x128xf32>
    %dot_general3A_243 = tpu.matmul %add3A_59, %mul3A_241, %dot_general3A_242 {dimension_numbers = #tpu.dot_dimension_numbers<[1], [0], [0], [1], [0, 0, 1, 1], [], []>, precision = #tpu.contract_precision<fp32>, transpose_lhs_hint = false} : vector<80x80xf32>, vector<80x128xf32>, vector<80x128xf32> -> vector<80x128xf32>
    %mul3A_244 = vector.broadcast %rsqrt3A_63 : vector<80x1xf32> to vector<80x128xf32>
    %mul3A_245 = arith.mulf %mul3A_244, %dot_general3A_243 : vector<80x128xf32>
    %slice3A_246 = vector.extract_strided_slice %dot_general3A_210 {offsets = [400, 0], sizes = [80, 128], strides = [1, 1]} : vector<640x128xf32> to vector<80x128xf32>
    %mul3A_247 = vector.broadcast %rsqrt3A_70 : vector<80x1xf32> to vector<80x128xf32>
    %mul3A_248 = arith.mulf %mul3A_247, %slice3A_246 : vector<80x128xf32>
    %dot_general3A_249 = arith.constant dense<0.000000e+00> : vector<80x128xf32>
    %dot_general3A_250 = tpu.matmul %add3A_66, %mul3A_248, %dot_general3A_249 {dimension_numbers = #tpu.dot_dimension_numbers<[1], [0], [0], [1], [0, 0, 1, 1], [], []>, precision = #tpu.contract_precision<fp32>, transpose_lhs_hint = false} : vector<80x80xf32>, vector<80x128xf32>, vector<80x128xf32> -> vector<80x128xf32>
    %mul3A_251 = vector.broadcast %rsqrt3A_70 : vector<80x1xf32> to vector<80x128xf32>
    %mul3A_252 = arith.mulf %mul3A_251, %dot_general3A_250 : vector<80x128xf32>
    %slice3A_253 = vector.extract_strided_slice %dot_general3A_210 {offsets = [480, 0], sizes = [80, 128], strides = [1, 1]} : vector<640x128xf32> to vector<80x128xf32>
    %mul3A_254 = vector.broadcast %rsqrt3A_77 : vector<80x1xf32> to vector<80x128xf32>
    %mul3A_255 = arith.mulf %mul3A_254, %slice3A_253 : vector<80x128xf32>
    %dot_general3A_256 = arith.constant dense<0.000000e+00> : vector<80x128xf32>
    %dot_general3A_257 = tpu.matmul %add3A_73, %mul3A_255, %dot_general3A_256 {dimension_numbers = #tpu.dot_dimension_numbers<[1], [0], [0], [1], [0, 0, 1, 1], [], []>, precision = #tpu.contract_precision<fp32>, transpose_lhs_hint = false} : vector<80x80xf32>, vector<80x128xf32>, vector<80x128xf32> -> vector<80x128xf32>
    %mul3A_258 = vector.broadcast %rsqrt3A_77 : vector<80x1xf32> to vector<80x128xf32>
    %mul3A_259 = arith.mulf %mul3A_258, %dot_general3A_257 : vector<80x128xf32>
    %slice3A_260 = vector.extract_strided_slice %dot_general3A_210 {offsets = [560, 0], sizes = [80, 128], strides = [1, 1]} : vector<640x128xf32> to vector<80x128xf32>
    %mul3A_261 = vector.broadcast %rsqrt3A_84 : vector<80x1xf32> to vector<80x128xf32>
    %mul3A_262 = arith.mulf %mul3A_261, %slice3A_260 : vector<80x128xf32>
    %dot_general3A_263 = arith.constant dense<0.000000e+00> : vector<80x128xf32>
    %dot_general3A_264 = tpu.matmul %add3A_80, %mul3A_262, %dot_general3A_263 {dimension_numbers = #tpu.dot_dimension_numbers<[1], [0], [0], [1], [0, 0, 1, 1], [], []>, precision = #tpu.contract_precision<fp32>, transpose_lhs_hint = false} : vector<80x80xf32>, vector<80x128xf32>, vector<80x128xf32> -> vector<80x128xf32>
    %mul3A_265 = vector.broadcast %rsqrt3A_84 : vector<80x1xf32> to vector<80x128xf32>
    %mul3A_266 = arith.mulf %mul3A_265, %dot_general3A_264 : vector<80x128xf32>
    %concatenate3A_267 = tpu.concatenate %mul3A_217, %mul3A_224, %mul3A_231, %mul3A_238, %mul3A_245, %mul3A_252, %mul3A_259, %mul3A_266 in 0 : vector<80x128xf32>, vector<80x128xf32>, vector<80x128xf32>, vector<80x128xf32>, vector<80x128xf32>, vector<80x128xf32>, vector<80x128xf32>, vector<80x128xf32> -> vector<640x128xf32>
    %add3A_268 = vector.broadcast %get3A_16 : vector<1x128xf32> to vector<640x128xf32>
    %add3A_269 = arith.addf %concatenate3A_267, %add3A_268 : vector<640x128xf32>
    %max3A_270 = arith.constant 0.000000e+00 : f32
    %max3A_271 = vector.broadcast %max3A_270 : f32 to vector<640x128xf32>
    %max3A_272 = arith.maximumf %add3A_269, %max3A_271 : vector<640x128xf32>
    %slice3A_273 = vector.extract_strided_slice %max3A_272 {offsets = [0, 0], sizes = [80, 128], strides = [1, 1]} : vector<640x128xf32> to vector<80x128xf32>
    %slice3A_274 = vector.extract_strided_slice %get3A_30 {offsets = [0, 0], sizes = [1, 128], strides = [1, 1]} : vector<8x128xf32> to vector<1x128xf32>
    %reduce_sum3A_275 = arith.constant dense<0.000000e+00> : vector<128xf32>
    %reduce_sum3A_276 = vector.multi_reduction <add>, %slice3A_273, %reduce_sum3A_275 [0] : vector<80x128xf32> to vector<128xf32>
    %broadcast_in_dim3A_277 = vector.shape_cast %reduce_sum3A_276 : vector<128xf32> to vector<1x128xf32>
    %div3A = arith.divf %broadcast_in_dim3A_277, %slice3A_274 : vector<1x128xf32>
    %dot_general3A_278 = arith.constant dense<0.000000e+00> : vector<1x128xf32>
    %dot_general3A_279 = tpu.matmul %div3A, %get3A_19, %dot_general3A_278 {dimension_numbers = #tpu.dot_dimension_numbers<[1], [0], [0], [1], [0, 0, 1, 1], [], []>, precision = #tpu.contract_precision<fp32>, transpose_lhs_hint = false} : vector<1x128xf32>, vector<128x128xf32>, vector<1x128xf32> -> vector<1x128xf32>
    %tanh3A = math.tanh %dot_general3A_279 : vector<1x128xf32>
    %mul3A_280 = vector.broadcast %tanh3A : vector<1x128xf32> to vector<80x128xf32>
    %mul3A_281 = arith.mulf %slice3A_273, %mul3A_280 : vector<80x128xf32>
    %reduce_sum3A_282 = arith.constant dense<0.000000e+00> : vector<80xf32>
    %reduce_sum3A_283 = vector.multi_reduction <add>, %mul3A_281, %reduce_sum3A_282 [1] : vector<80x128xf32> to vector<80xf32>
    %broadcast_in_dim3A_284 = vector.shape_cast %reduce_sum3A_283 : vector<80xf32> to vector<80x1xf32>
    %logistic3A = arith.negf %broadcast_in_dim3A_284 : vector<80x1xf32>
    %logistic3A_285 = math.exp %logistic3A : vector<80x1xf32>
    %logistic3A_286 = arith.constant 1.000000e+00 : f32
    %logistic3A_287 = vector.broadcast %logistic3A_286 : f32 to vector<80x1xf32>
    %logistic3A_288 = arith.addf %logistic3A_287, %logistic3A_285 : vector<80x1xf32>
    %logistic3A_289 = arith.divf %logistic3A_287, %logistic3A_288 : vector<80x1xf32>
    %mul3A_290 = vector.broadcast %logistic3A_289 : vector<80x1xf32> to vector<80x128xf32>
    %mul3A_291 = arith.mulf %slice3A_273, %mul3A_290 : vector<80x128xf32>
    %reduce_sum3A_292 = arith.constant dense<0.000000e+00> : vector<128xf32>
    %reduce_sum3A_293 = vector.multi_reduction <add>, %mul3A_291, %reduce_sum3A_292 [0] : vector<80x128xf32> to vector<128xf32>
    %broadcast_in_dim3A_294 = vector.shape_cast %reduce_sum3A_293 : vector<128xf32> to vector<1x128xf32>
    %slice3A_295 = vector.extract_strided_slice %max3A_272 {offsets = [80, 0], sizes = [80, 128], strides = [1, 1]} : vector<640x128xf32> to vector<80x128xf32>
    %slice3A_296 = vector.extract_strided_slice %get3A_30 {offsets = [1, 0], sizes = [1, 128], strides = [1, 1]} : vector<8x128xf32> to vector<1x128xf32>
    %reduce_sum3A_297 = arith.constant dense<0.000000e+00> : vector<128xf32>
    %reduce_sum3A_298 = vector.multi_reduction <add>, %slice3A_295, %reduce_sum3A_297 [0] : vector<80x128xf32> to vector<128xf32>
    %broadcast_in_dim3A_299 = vector.shape_cast %reduce_sum3A_298 : vector<128xf32> to vector<1x128xf32>
    %div3A_300 = arith.divf %broadcast_in_dim3A_299, %slice3A_296 : vector<1x128xf32>
    %dot_general3A_301 = arith.constant dense<0.000000e+00> : vector<1x128xf32>
    %dot_general3A_302 = tpu.matmul %div3A_300, %get3A_19, %dot_general3A_301 {dimension_numbers = #tpu.dot_dimension_numbers<[1], [0], [0], [1], [0, 0, 1, 1], [], []>, precision = #tpu.contract_precision<fp32>, transpose_lhs_hint = false} : vector<1x128xf32>, vector<128x128xf32>, vector<1x128xf32> -> vector<1x128xf32>
    %tanh3A_303 = math.tanh %dot_general3A_302 : vector<1x128xf32>
    %mul3A_304 = vector.broadcast %tanh3A_303 : vector<1x128xf32> to vector<80x128xf32>
    %mul3A_305 = arith.mulf %slice3A_295, %mul3A_304 : vector<80x128xf32>
    %reduce_sum3A_306 = arith.constant dense<0.000000e+00> : vector<80xf32>
    %reduce_sum3A_307 = vector.multi_reduction <add>, %mul3A_305, %reduce_sum3A_306 [1] : vector<80x128xf32> to vector<80xf32>
    %broadcast_in_dim3A_308 = vector.shape_cast %reduce_sum3A_307 : vector<80xf32> to vector<80x1xf32>
    %logistic3A_309 = arith.negf %broadcast_in_dim3A_308 : vector<80x1xf32>
    %logistic3A_310 = math.exp %logistic3A_309 : vector<80x1xf32>
    %logistic3A_311 = arith.constant 1.000000e+00 : f32
    %logistic3A_312 = vector.broadcast %logistic3A_311 : f32 to vector<80x1xf32>
    %logistic3A_313 = arith.addf %logistic3A_312, %logistic3A_310 : vector<80x1xf32>
    %logistic3A_314 = arith.divf %logistic3A_312, %logistic3A_313 : vector<80x1xf32>
    %mul3A_315 = vector.broadcast %logistic3A_314 : vector<80x1xf32> to vector<80x128xf32>
    %mul3A_316 = arith.mulf %slice3A_295, %mul3A_315 : vector<80x128xf32>
    %reduce_sum3A_317 = arith.constant dense<0.000000e+00> : vector<128xf32>
    %reduce_sum3A_318 = vector.multi_reduction <add>, %mul3A_316, %reduce_sum3A_317 [0] : vector<80x128xf32> to vector<128xf32>
    %broadcast_in_dim3A_319 = vector.shape_cast %reduce_sum3A_318 : vector<128xf32> to vector<1x128xf32>
    %slice3A_320 = vector.extract_strided_slice %max3A_272 {offsets = [160, 0], sizes = [80, 128], strides = [1, 1]} : vector<640x128xf32> to vector<80x128xf32>
    %slice3A_321 = vector.extract_strided_slice %get3A_30 {offsets = [2, 0], sizes = [1, 128], strides = [1, 1]} : vector<8x128xf32> to vector<1x128xf32>
    %reduce_sum3A_322 = arith.constant dense<0.000000e+00> : vector<128xf32>
    %reduce_sum3A_323 = vector.multi_reduction <add>, %slice3A_320, %reduce_sum3A_322 [0] : vector<80x128xf32> to vector<128xf32>
    %broadcast_in_dim3A_324 = vector.shape_cast %reduce_sum3A_323 : vector<128xf32> to vector<1x128xf32>
    %div3A_325 = arith.divf %broadcast_in_dim3A_324, %slice3A_321 : vector<1x128xf32>
    %dot_general3A_326 = arith.constant dense<0.000000e+00> : vector<1x128xf32>
    %dot_general3A_327 = tpu.matmul %div3A_325, %get3A_19, %dot_general3A_326 {dimension_numbers = #tpu.dot_dimension_numbers<[1], [0], [0], [1], [0, 0, 1, 1], [], []>, precision = #tpu.contract_precision<fp32>, transpose_lhs_hint = false} : vector<1x128xf32>, vector<128x128xf32>, vector<1x128xf32> -> vector<1x128xf32>
    %tanh3A_328 = math.tanh %dot_general3A_327 : vector<1x128xf32>
    %mul3A_329 = vector.broadcast %tanh3A_328 : vector<1x128xf32> to vector<80x128xf32>
    %mul3A_330 = arith.mulf %slice3A_320, %mul3A_329 : vector<80x128xf32>
    %reduce_sum3A_331 = arith.constant dense<0.000000e+00> : vector<80xf32>
    %reduce_sum3A_332 = vector.multi_reduction <add>, %mul3A_330, %reduce_sum3A_331 [1] : vector<80x128xf32> to vector<80xf32>
    %broadcast_in_dim3A_333 = vector.shape_cast %reduce_sum3A_332 : vector<80xf32> to vector<80x1xf32>
    %logistic3A_334 = arith.negf %broadcast_in_dim3A_333 : vector<80x1xf32>
    %logistic3A_335 = math.exp %logistic3A_334 : vector<80x1xf32>
    %logistic3A_336 = arith.constant 1.000000e+00 : f32
    %logistic3A_337 = vector.broadcast %logistic3A_336 : f32 to vector<80x1xf32>
    %logistic3A_338 = arith.addf %logistic3A_337, %logistic3A_335 : vector<80x1xf32>
    %logistic3A_339 = arith.divf %logistic3A_337, %logistic3A_338 : vector<80x1xf32>
    %mul3A_340 = vector.broadcast %logistic3A_339 : vector<80x1xf32> to vector<80x128xf32>
    %mul3A_341 = arith.mulf %slice3A_320, %mul3A_340 : vector<80x128xf32>
    %reduce_sum3A_342 = arith.constant dense<0.000000e+00> : vector<128xf32>
    %reduce_sum3A_343 = vector.multi_reduction <add>, %mul3A_341, %reduce_sum3A_342 [0] : vector<80x128xf32> to vector<128xf32>
    %broadcast_in_dim3A_344 = vector.shape_cast %reduce_sum3A_343 : vector<128xf32> to vector<1x128xf32>
    %slice3A_345 = vector.extract_strided_slice %max3A_272 {offsets = [240, 0], sizes = [80, 128], strides = [1, 1]} : vector<640x128xf32> to vector<80x128xf32>
    %slice3A_346 = vector.extract_strided_slice %get3A_30 {offsets = [3, 0], sizes = [1, 128], strides = [1, 1]} : vector<8x128xf32> to vector<1x128xf32>
    %reduce_sum3A_347 = arith.constant dense<0.000000e+00> : vector<128xf32>
    %reduce_sum3A_348 = vector.multi_reduction <add>, %slice3A_345, %reduce_sum3A_347 [0] : vector<80x128xf32> to vector<128xf32>
    %broadcast_in_dim3A_349 = vector.shape_cast %reduce_sum3A_348 : vector<128xf32> to vector<1x128xf32>
    %div3A_350 = arith.divf %broadcast_in_dim3A_349, %slice3A_346 : vector<1x128xf32>
    %dot_general3A_351 = arith.constant dense<0.000000e+00> : vector<1x128xf32>
    %dot_general3A_352 = tpu.matmul %div3A_350, %get3A_19, %dot_general3A_351 {dimension_numbers = #tpu.dot_dimension_numbers<[1], [0], [0], [1], [0, 0, 1, 1], [], []>, precision = #tpu.contract_precision<fp32>, transpose_lhs_hint = false} : vector<1x128xf32>, vector<128x128xf32>, vector<1x128xf32> -> vector<1x128xf32>
    %tanh3A_353 = math.tanh %dot_general3A_352 : vector<1x128xf32>
    %mul3A_354 = vector.broadcast %tanh3A_353 : vector<1x128xf32> to vector<80x128xf32>
    %mul3A_355 = arith.mulf %slice3A_345, %mul3A_354 : vector<80x128xf32>
    %reduce_sum3A_356 = arith.constant dense<0.000000e+00> : vector<80xf32>
    %reduce_sum3A_357 = vector.multi_reduction <add>, %mul3A_355, %reduce_sum3A_356 [1] : vector<80x128xf32> to vector<80xf32>
    %broadcast_in_dim3A_358 = vector.shape_cast %reduce_sum3A_357 : vector<80xf32> to vector<80x1xf32>
    %logistic3A_359 = arith.negf %broadcast_in_dim3A_358 : vector<80x1xf32>
    %logistic3A_360 = math.exp %logistic3A_359 : vector<80x1xf32>
    %logistic3A_361 = arith.constant 1.000000e+00 : f32
    %logistic3A_362 = vector.broadcast %logistic3A_361 : f32 to vector<80x1xf32>
    %logistic3A_363 = arith.addf %logistic3A_362, %logistic3A_360 : vector<80x1xf32>
    %logistic3A_364 = arith.divf %logistic3A_362, %logistic3A_363 : vector<80x1xf32>
    %mul3A_365 = vector.broadcast %logistic3A_364 : vector<80x1xf32> to vector<80x128xf32>
    %mul3A_366 = arith.mulf %slice3A_345, %mul3A_365 : vector<80x128xf32>
    %reduce_sum3A_367 = arith.constant dense<0.000000e+00> : vector<128xf32>
    %reduce_sum3A_368 = vector.multi_reduction <add>, %mul3A_366, %reduce_sum3A_367 [0] : vector<80x128xf32> to vector<128xf32>
    %broadcast_in_dim3A_369 = vector.shape_cast %reduce_sum3A_368 : vector<128xf32> to vector<1x128xf32>
    %slice3A_370 = vector.extract_strided_slice %max3A_272 {offsets = [320, 0], sizes = [80, 128], strides = [1, 1]} : vector<640x128xf32> to vector<80x128xf32>
    %slice3A_371 = vector.extract_strided_slice %get3A_30 {offsets = [4, 0], sizes = [1, 128], strides = [1, 1]} : vector<8x128xf32> to vector<1x128xf32>
    %reduce_sum3A_372 = arith.constant dense<0.000000e+00> : vector<128xf32>
    %reduce_sum3A_373 = vector.multi_reduction <add>, %slice3A_370, %reduce_sum3A_372 [0] : vector<80x128xf32> to vector<128xf32>
    %broadcast_in_dim3A_374 = vector.shape_cast %reduce_sum3A_373 : vector<128xf32> to vector<1x128xf32>
    %div3A_375 = arith.divf %broadcast_in_dim3A_374, %slice3A_371 : vector<1x128xf32>
    %dot_general3A_376 = arith.constant dense<0.000000e+00> : vector<1x128xf32>
    %dot_general3A_377 = tpu.matmul %div3A_375, %get3A_19, %dot_general3A_376 {dimension_numbers = #tpu.dot_dimension_numbers<[1], [0], [0], [1], [0, 0, 1, 1], [], []>, precision = #tpu.contract_precision<fp32>, transpose_lhs_hint = false} : vector<1x128xf32>, vector<128x128xf32>, vector<1x128xf32> -> vector<1x128xf32>
    %tanh3A_378 = math.tanh %dot_general3A_377 : vector<1x128xf32>
    %mul3A_379 = vector.broadcast %tanh3A_378 : vector<1x128xf32> to vector<80x128xf32>
    %mul3A_380 = arith.mulf %slice3A_370, %mul3A_379 : vector<80x128xf32>
    %reduce_sum3A_381 = arith.constant dense<0.000000e+00> : vector<80xf32>
    %reduce_sum3A_382 = vector.multi_reduction <add>, %mul3A_380, %reduce_sum3A_381 [1] : vector<80x128xf32> to vector<80xf32>
    %broadcast_in_dim3A_383 = vector.shape_cast %reduce_sum3A_382 : vector<80xf32> to vector<80x1xf32>
    %logistic3A_384 = arith.negf %broadcast_in_dim3A_383 : vector<80x1xf32>
    %logistic3A_385 = math.exp %logistic3A_384 : vector<80x1xf32>
    %logistic3A_386 = arith.constant 1.000000e+00 : f32
    %logistic3A_387 = vector.broadcast %logistic3A_386 : f32 to vector<80x1xf32>
    %logistic3A_388 = arith.addf %logistic3A_387, %logistic3A_385 : vector<80x1xf32>
    %logistic3A_389 = arith.divf %logistic3A_387, %logistic3A_388 : vector<80x1xf32>
    %mul3A_390 = vector.broadcast %logistic3A_389 : vector<80x1xf32> to vector<80x128xf32>
    %mul3A_391 = arith.mulf %slice3A_370, %mul3A_390 : vector<80x128xf32>
    %reduce_sum3A_392 = arith.constant dense<0.000000e+00> : vector<128xf32>
    %reduce_sum3A_393 = vector.multi_reduction <add>, %mul3A_391, %reduce_sum3A_392 [0] : vector<80x128xf32> to vector<128xf32>
    %broadcast_in_dim3A_394 = vector.shape_cast %reduce_sum3A_393 : vector<128xf32> to vector<1x128xf32>
    %slice3A_395 = vector.extract_strided_slice %max3A_272 {offsets = [400, 0], sizes = [80, 128], strides = [1, 1]} : vector<640x128xf32> to vector<80x128xf32>
    %slice3A_396 = vector.extract_strided_slice %get3A_30 {offsets = [5, 0], sizes = [1, 128], strides = [1, 1]} : vector<8x128xf32> to vector<1x128xf32>
    %reduce_sum3A_397 = arith.constant dense<0.000000e+00> : vector<128xf32>
    %reduce_sum3A_398 = vector.multi_reduction <add>, %slice3A_395, %reduce_sum3A_397 [0] : vector<80x128xf32> to vector<128xf32>
    %broadcast_in_dim3A_399 = vector.shape_cast %reduce_sum3A_398 : vector<128xf32> to vector<1x128xf32>
    %div3A_400 = arith.divf %broadcast_in_dim3A_399, %slice3A_396 : vector<1x128xf32>
    %dot_general3A_401 = arith.constant dense<0.000000e+00> : vector<1x128xf32>
    %dot_general3A_402 = tpu.matmul %div3A_400, %get3A_19, %dot_general3A_401 {dimension_numbers = #tpu.dot_dimension_numbers<[1], [0], [0], [1], [0, 0, 1, 1], [], []>, precision = #tpu.contract_precision<fp32>, transpose_lhs_hint = false} : vector<1x128xf32>, vector<128x128xf32>, vector<1x128xf32> -> vector<1x128xf32>
    %tanh3A_403 = math.tanh %dot_general3A_402 : vector<1x128xf32>
    %mul3A_404 = vector.broadcast %tanh3A_403 : vector<1x128xf32> to vector<80x128xf32>
    %mul3A_405 = arith.mulf %slice3A_395, %mul3A_404 : vector<80x128xf32>
    %reduce_sum3A_406 = arith.constant dense<0.000000e+00> : vector<80xf32>
    %reduce_sum3A_407 = vector.multi_reduction <add>, %mul3A_405, %reduce_sum3A_406 [1] : vector<80x128xf32> to vector<80xf32>
    %broadcast_in_dim3A_408 = vector.shape_cast %reduce_sum3A_407 : vector<80xf32> to vector<80x1xf32>
    %logistic3A_409 = arith.negf %broadcast_in_dim3A_408 : vector<80x1xf32>
    %logistic3A_410 = math.exp %logistic3A_409 : vector<80x1xf32>
    %logistic3A_411 = arith.constant 1.000000e+00 : f32
    %logistic3A_412 = vector.broadcast %logistic3A_411 : f32 to vector<80x1xf32>
    %logistic3A_413 = arith.addf %logistic3A_412, %logistic3A_410 : vector<80x1xf32>
    %logistic3A_414 = arith.divf %logistic3A_412, %logistic3A_413 : vector<80x1xf32>
    %mul3A_415 = vector.broadcast %logistic3A_414 : vector<80x1xf32> to vector<80x128xf32>
    %mul3A_416 = arith.mulf %slice3A_395, %mul3A_415 : vector<80x128xf32>
    %reduce_sum3A_417 = arith.constant dense<0.000000e+00> : vector<128xf32>
    %reduce_sum3A_418 = vector.multi_reduction <add>, %mul3A_416, %reduce_sum3A_417 [0] : vector<80x128xf32> to vector<128xf32>
    %broadcast_in_dim3A_419 = vector.shape_cast %reduce_sum3A_418 : vector<128xf32> to vector<1x128xf32>
    %slice3A_420 = vector.extract_strided_slice %max3A_272 {offsets = [480, 0], sizes = [80, 128], strides = [1, 1]} : vector<640x128xf32> to vector<80x128xf32>
    %slice3A_421 = vector.extract_strided_slice %get3A_30 {offsets = [6, 0], sizes = [1, 128], strides = [1, 1]} : vector<8x128xf32> to vector<1x128xf32>
    %reduce_sum3A_422 = arith.constant dense<0.000000e+00> : vector<128xf32>
    %reduce_sum3A_423 = vector.multi_reduction <add>, %slice3A_420, %reduce_sum3A_422 [0] : vector<80x128xf32> to vector<128xf32>
    %broadcast_in_dim3A_424 = vector.shape_cast %reduce_sum3A_423 : vector<128xf32> to vector<1x128xf32>
    %div3A_425 = arith.divf %broadcast_in_dim3A_424, %slice3A_421 : vector<1x128xf32>
    %dot_general3A_426 = arith.constant dense<0.000000e+00> : vector<1x128xf32>
    %dot_general3A_427 = tpu.matmul %div3A_425, %get3A_19, %dot_general3A_426 {dimension_numbers = #tpu.dot_dimension_numbers<[1], [0], [0], [1], [0, 0, 1, 1], [], []>, precision = #tpu.contract_precision<fp32>, transpose_lhs_hint = false} : vector<1x128xf32>, vector<128x128xf32>, vector<1x128xf32> -> vector<1x128xf32>
    %tanh3A_428 = math.tanh %dot_general3A_427 : vector<1x128xf32>
    %mul3A_429 = vector.broadcast %tanh3A_428 : vector<1x128xf32> to vector<80x128xf32>
    %mul3A_430 = arith.mulf %slice3A_420, %mul3A_429 : vector<80x128xf32>
    %reduce_sum3A_431 = arith.constant dense<0.000000e+00> : vector<80xf32>
    %reduce_sum3A_432 = vector.multi_reduction <add>, %mul3A_430, %reduce_sum3A_431 [1] : vector<80x128xf32> to vector<80xf32>
    %broadcast_in_dim3A_433 = vector.shape_cast %reduce_sum3A_432 : vector<80xf32> to vector<80x1xf32>
    %logistic3A_434 = arith.negf %broadcast_in_dim3A_433 : vector<80x1xf32>
    %logistic3A_435 = math.exp %logistic3A_434 : vector<80x1xf32>
    %logistic3A_436 = arith.constant 1.000000e+00 : f32
    %logistic3A_437 = vector.broadcast %logistic3A_436 : f32 to vector<80x1xf32>
    %logistic3A_438 = arith.addf %logistic3A_437, %logistic3A_435 : vector<80x1xf32>
    %logistic3A_439 = arith.divf %logistic3A_437, %logistic3A_438 : vector<80x1xf32>
    %mul3A_440 = vector.broadcast %logistic3A_439 : vector<80x1xf32> to vector<80x128xf32>
    %mul3A_441 = arith.mulf %slice3A_420, %mul3A_440 : vector<80x128xf32>
    %reduce_sum3A_442 = arith.constant dense<0.000000e+00> : vector<128xf32>
    %reduce_sum3A_443 = vector.multi_reduction <add>, %mul3A_441, %reduce_sum3A_442 [0] : vector<80x128xf32> to vector<128xf32>
    %broadcast_in_dim3A_444 = vector.shape_cast %reduce_sum3A_443 : vector<128xf32> to vector<1x128xf32>
    %slice3A_445 = vector.extract_strided_slice %max3A_272 {offsets = [560, 0], sizes = [80, 128], strides = [1, 1]} : vector<640x128xf32> to vector<80x128xf32>
    %slice3A_446 = vector.extract_strided_slice %get3A_30 {offsets = [7, 0], sizes = [1, 128], strides = [1, 1]} : vector<8x128xf32> to vector<1x128xf32>
    %reduce_sum3A_447 = arith.constant dense<0.000000e+00> : vector<128xf32>
    %reduce_sum3A_448 = vector.multi_reduction <add>, %slice3A_445, %reduce_sum3A_447 [0] : vector<80x128xf32> to vector<128xf32>
    %broadcast_in_dim3A_449 = vector.shape_cast %reduce_sum3A_448 : vector<128xf32> to vector<1x128xf32>
    %div3A_450 = arith.divf %broadcast_in_dim3A_449, %slice3A_446 : vector<1x128xf32>
    %dot_general3A_451 = arith.constant dense<0.000000e+00> : vector<1x128xf32>
    %dot_general3A_452 = tpu.matmul %div3A_450, %get3A_19, %dot_general3A_451 {dimension_numbers = #tpu.dot_dimension_numbers<[1], [0], [0], [1], [0, 0, 1, 1], [], []>, precision = #tpu.contract_precision<fp32>, transpose_lhs_hint = false} : vector<1x128xf32>, vector<128x128xf32>, vector<1x128xf32> -> vector<1x128xf32>
    %tanh3A_453 = math.tanh %dot_general3A_452 : vector<1x128xf32>
    %mul3A_454 = vector.broadcast %tanh3A_453 : vector<1x128xf32> to vector<80x128xf32>
    %mul3A_455 = arith.mulf %slice3A_445, %mul3A_454 : vector<80x128xf32>
    %reduce_sum3A_456 = arith.constant dense<0.000000e+00> : vector<80xf32>
    %reduce_sum3A_457 = vector.multi_reduction <add>, %mul3A_455, %reduce_sum3A_456 [1] : vector<80x128xf32> to vector<80xf32>
    %broadcast_in_dim3A_458 = vector.shape_cast %reduce_sum3A_457 : vector<80xf32> to vector<80x1xf32>
    %logistic3A_459 = arith.negf %broadcast_in_dim3A_458 : vector<80x1xf32>
    %logistic3A_460 = math.exp %logistic3A_459 : vector<80x1xf32>
    %logistic3A_461 = arith.constant 1.000000e+00 : f32
    %logistic3A_462 = vector.broadcast %logistic3A_461 : f32 to vector<80x1xf32>
    %logistic3A_463 = arith.addf %logistic3A_462, %logistic3A_460 : vector<80x1xf32>
    %logistic3A_464 = arith.divf %logistic3A_462, %logistic3A_463 : vector<80x1xf32>
    %mul3A_465 = vector.broadcast %logistic3A_464 : vector<80x1xf32> to vector<80x128xf32>
    %mul3A_466 = arith.mulf %slice3A_445, %mul3A_465 : vector<80x128xf32>
    %reduce_sum3A_467 = arith.constant dense<0.000000e+00> : vector<128xf32>
    %reduce_sum3A_468 = vector.multi_reduction <add>, %mul3A_466, %reduce_sum3A_467 [0] : vector<80x128xf32> to vector<128xf32>
    %broadcast_in_dim3A_469 = vector.shape_cast %reduce_sum3A_468 : vector<128xf32> to vector<1x128xf32>
    %concatenate3A_470 = tpu.concatenate %broadcast_in_dim3A_294, %broadcast_in_dim3A_319, %broadcast_in_dim3A_344, %broadcast_in_dim3A_369, %broadcast_in_dim3A_394, %broadcast_in_dim3A_419, %broadcast_in_dim3A_444, %broadcast_in_dim3A_469 in 0 : vector<1x128xf32>, vector<1x128xf32>, vector<1x128xf32>, vector<1x128xf32>, vector<1x128xf32>, vector<1x128xf32>, vector<1x128xf32>, vector<1x128xf32> -> vector<8x128xf32>
    %swap3A = arith.constant 0 : index
    %swap3A_471 = arith.constant 0 : index
    %swap3A_472 = vector.load %arg14[%swap3A, %swap3A_471] : memref<8x128xf32, #tpu.memory_space<vmem>>, vector<8x128xf32>
    tpu.vector_store %arg14[%swap3A, %swap3A_471], %concatenate3A_470 {strides = array<i32>} : memref<8x128xf32, #tpu.memory_space<vmem>>, vector<8x128xf32>,
    %get3A_473 = arith.constant 0 : index
    %get3A_474 = arith.constant 0 : index
    %get3A_475 = arith.constant 0 : index
    %get3A_476 = vector.load %arg2[%get3A_473, %get3A_474, %get3A_475] : memref<8x80x128xf32, #tpu.memory_space<vmem>>, vector<8x80x128xf32>
    %get3A_477 = arith.constant 0 : index
    %get3A_478 = arith.constant 0 : index
    %get3A_479 = arith.constant 0 : index
    %get3A_480 = vector.load %arg4[%get3A_477, %get3A_478, %get3A_479] : memref<8x80x80xf32, #tpu.memory_space<vmem>>, vector<8x80x80xf32>
    %get3A_481 = arith.constant 0 : index
    %get3A_482 = arith.constant 0 : index
    %get3A_483 = vector.load %arg6[%get3A_481, %get3A_482] : memref<8x128xf32, #tpu.memory_space<vmem>>, vector<8x128xf32>
    %reshape3A_484 = vector.shape_cast %get3A_476 : vector<8x80x128xf32> to vector<640x128xf32>
    %iota3A_485 = tpu.iota {dimensions = array<i32: 0>} : vector<80x80xi32>
    %iota3A_486 = tpu.iota {dimensions = array<i32: 1>} : vector<80x80xi32>
    %eq3A_487 = arith.cmpi eq, %iota3A_485, %iota3A_486 : vector<80x80xi32>
    %jit3A_488 = arith.constant 1.000000e+00 : f32
    %jit3A_489 = arith.constant 0.000000e+00 : f32
    %broadcast_in_dim3A_490 = vector.broadcast %jit3A_488 : f32 to vector<80x80xf32>
    %broadcast_in_dim3A_491 = vector.broadcast %jit3A_489 : f32 to vector<80x80xf32>
    %select_n3A_492 = arith.select %eq3A_487, %broadcast_in_dim3A_490, %broadcast_in_dim3A_491 : vector<80x80xi1>, vector<80x80xf32>
    %slice3A_493 = vector.extract_strided_slice %get3A_480 {offsets = [0, 0, 0], sizes = [1, 80, 80], strides = [1, 1, 1]} : vector<8x80x80xf32> to vector<1x80x80xf32>
    %squeeze3A_494 = vector.shape_cast %slice3A_493 : vector<1x80x80xf32> to vector<80x80xf32>
    %add3A_495 = arith.addf %squeeze3A_494, %select_n3A_492 : vector<80x80xf32>
    %reduce_sum3A_496 = arith.constant dense<0.000000e+00> : vector<80xf32>
    %reduce_sum3A_497 = vector.multi_reduction <add>, %add3A_495, %reduce_sum3A_496 [1] : vector<80x80xf32> to vector<80xf32>
    %broadcast_in_dim3A_498 = vector.shape_cast %reduce_sum3A_497 : vector<80xf32> to vector<80x1xf32>
    %rsqrt3A_499 = math.rsqrt %broadcast_in_dim3A_498 : vector<80x1xf32>
    %slice3A_500 = vector.extract_strided_slice %get3A_480 {offsets = [1, 0, 0], sizes = [1, 80, 80], strides = [1, 1, 1]} : vector<8x80x80xf32> to vector<1x80x80xf32>
    %squeeze3A_501 = vector.shape_cast %slice3A_500 : vector<1x80x80xf32> to vector<80x80xf32>
    %add3A_502 = arith.addf %squeeze3A_501, %select_n3A_492 : vector<80x80xf32>
    %reduce_sum3A_503 = arith.constant dense<0.000000e+00> : vector<80xf32>
    %reduce_sum3A_504 = vector.multi_reduction <add>, %add3A_502, %reduce_sum3A_503 [1] : vector<80x80xf32> to vector<80xf32>
    %broadcast_in_dim3A_505 = vector.shape_cast %reduce_sum3A_504 : vector<80xf32> to vector<80x1xf32>
    %rsqrt3A_506 = math.rsqrt %broadcast_in_dim3A_505 : vector<80x1xf32>
    %slice3A_507 = vector.extract_strided_slice %get3A_480 {offsets = [2, 0, 0], sizes = [1, 80, 80], strides = [1, 1, 1]} : vector<8x80x80xf32> to vector<1x80x80xf32>
    %squeeze3A_508 = vector.shape_cast %slice3A_507 : vector<1x80x80xf32> to vector<80x80xf32>
    %add3A_509 = arith.addf %squeeze3A_508, %select_n3A_492 : vector<80x80xf32>
    %reduce_sum3A_510 = arith.constant dense<0.000000e+00> : vector<80xf32>
    %reduce_sum3A_511 = vector.multi_reduction <add>, %add3A_509, %reduce_sum3A_510 [1] : vector<80x80xf32> to vector<80xf32>
    %broadcast_in_dim3A_512 = vector.shape_cast %reduce_sum3A_511 : vector<80xf32> to vector<80x1xf32>
    %rsqrt3A_513 = math.rsqrt %broadcast_in_dim3A_512 : vector<80x1xf32>
    %slice3A_514 = vector.extract_strided_slice %get3A_480 {offsets = [3, 0, 0], sizes = [1, 80, 80], strides = [1, 1, 1]} : vector<8x80x80xf32> to vector<1x80x80xf32>
    %squeeze3A_515 = vector.shape_cast %slice3A_514 : vector<1x80x80xf32> to vector<80x80xf32>
    %add3A_516 = arith.addf %squeeze3A_515, %select_n3A_492 : vector<80x80xf32>
    %reduce_sum3A_517 = arith.constant dense<0.000000e+00> : vector<80xf32>
    %reduce_sum3A_518 = vector.multi_reduction <add>, %add3A_516, %reduce_sum3A_517 [1] : vector<80x80xf32> to vector<80xf32>
    %broadcast_in_dim3A_519 = vector.shape_cast %reduce_sum3A_518 : vector<80xf32> to vector<80x1xf32>
    %rsqrt3A_520 = math.rsqrt %broadcast_in_dim3A_519 : vector<80x1xf32>
    %slice3A_521 = vector.extract_strided_slice %get3A_480 {offsets = [4, 0, 0], sizes = [1, 80, 80], strides = [1, 1, 1]} : vector<8x80x80xf32> to vector<1x80x80xf32>
    %squeeze3A_522 = vector.shape_cast %slice3A_521 : vector<1x80x80xf32> to vector<80x80xf32>
    %add3A_523 = arith.addf %squeeze3A_522, %select_n3A_492 : vector<80x80xf32>
    %reduce_sum3A_524 = arith.constant dense<0.000000e+00> : vector<80xf32>
    %reduce_sum3A_525 = vector.multi_reduction <add>, %add3A_523, %reduce_sum3A_524 [1] : vector<80x80xf32> to vector<80xf32>
    %broadcast_in_dim3A_526 = vector.shape_cast %reduce_sum3A_525 : vector<80xf32> to vector<80x1xf32>
    %rsqrt3A_527 = math.rsqrt %broadcast_in_dim3A_526 : vector<80x1xf32>
    %slice3A_528 = vector.extract_strided_slice %get3A_480 {offsets = [5, 0, 0], sizes = [1, 80, 80], strides = [1, 1, 1]} : vector<8x80x80xf32> to vector<1x80x80xf32>
    %squeeze3A_529 = vector.shape_cast %slice3A_528 : vector<1x80x80xf32> to vector<80x80xf32>
    %add3A_530 = arith.addf %squeeze3A_529, %select_n3A_492 : vector<80x80xf32>
    %reduce_sum3A_531 = arith.constant dense<0.000000e+00> : vector<80xf32>
    %reduce_sum3A_532 = vector.multi_reduction <add>, %add3A_530, %reduce_sum3A_531 [1] : vector<80x80xf32> to vector<80xf32>
    %broadcast_in_dim3A_533 = vector.shape_cast %reduce_sum3A_532 : vector<80xf32> to vector<80x1xf32>
    %rsqrt3A_534 = math.rsqrt %broadcast_in_dim3A_533 : vector<80x1xf32>
    %slice3A_535 = vector.extract_strided_slice %get3A_480 {offsets = [6, 0, 0], sizes = [1, 80, 80], strides = [1, 1, 1]} : vector<8x80x80xf32> to vector<1x80x80xf32>
    %squeeze3A_536 = vector.shape_cast %slice3A_535 : vector<1x80x80xf32> to vector<80x80xf32>
    %add3A_537 = arith.addf %squeeze3A_536, %select_n3A_492 : vector<80x80xf32>
    %reduce_sum3A_538 = arith.constant dense<0.000000e+00> : vector<80xf32>
    %reduce_sum3A_539 = vector.multi_reduction <add>, %add3A_537, %reduce_sum3A_538 [1] : vector<80x80xf32> to vector<80xf32>
    %broadcast_in_dim3A_540 = vector.shape_cast %reduce_sum3A_539 : vector<80xf32> to vector<80x1xf32>
    %rsqrt3A_541 = math.rsqrt %broadcast_in_dim3A_540 : vector<80x1xf32>
    %slice3A_542 = vector.extract_strided_slice %get3A_480 {offsets = [7, 0, 0], sizes = [1, 80, 80], strides = [1, 1, 1]} : vector<8x80x80xf32> to vector<1x80x80xf32>
    %squeeze3A_543 = vector.shape_cast %slice3A_542 : vector<1x80x80xf32> to vector<80x80xf32>
    %add3A_544 = arith.addf %squeeze3A_543, %select_n3A_492 : vector<80x80xf32>
    %reduce_sum3A_545 = arith.constant dense<0.000000e+00> : vector<80xf32>
    %reduce_sum3A_546 = vector.multi_reduction <add>, %add3A_544, %reduce_sum3A_545 [1] : vector<80x80xf32> to vector<80xf32>
    %broadcast_in_dim3A_547 = vector.shape_cast %reduce_sum3A_546 : vector<80xf32> to vector<80x1xf32>
    %rsqrt3A_548 = math.rsqrt %broadcast_in_dim3A_547 : vector<80x1xf32>
    %dot_general3A_549 = arith.constant dense<0.000000e+00> : vector<640x128xf32>
    %dot_general3A_550 = tpu.matmul %reshape3A_484, %get3A_1, %dot_general3A_549 {dimension_numbers = #tpu.dot_dimension_numbers<[1], [0], [0], [1], [0, 0, 1, 1], [], []>, precision = #tpu.contract_precision<fp32>, transpose_lhs_hint = false} : vector<640x128xf32>, vector<128x128xf32>, vector<640x128xf32> -> vector<640x128xf32>
    %slice3A_551 = vector.extract_strided_slice %dot_general3A_550 {offsets = [0, 0], sizes = [80, 128], strides = [1, 1]} : vector<640x128xf32> to vector<80x128xf32>
    %mul3A_552 = vector.broadcast %rsqrt3A_499 : vector<80x1xf32> to vector<80x128xf32>
    %mul3A_553 = arith.mulf %mul3A_552, %slice3A_551 : vector<80x128xf32>
    %dot_general3A_554 = arith.constant dense<0.000000e+00> : vector<80x128xf32>
    %dot_general3A_555 = tpu.matmul %add3A_495, %mul3A_553, %dot_general3A_554 {dimension_numbers = #tpu.dot_dimension_numbers<[1], [0], [0], [1], [0, 0, 1, 1], [], []>, precision = #tpu.contract_precision<fp32>, transpose_lhs_hint = false} : vector<80x80xf32>, vector<80x128xf32>, vector<80x128xf32> -> vector<80x128xf32>
    %mul3A_556 = vector.broadcast %rsqrt3A_499 : vector<80x1xf32> to vector<80x128xf32>
    %mul3A_557 = arith.mulf %mul3A_556, %dot_general3A_555 : vector<80x128xf32>
    %slice3A_558 = vector.extract_strided_slice %dot_general3A_550 {offsets = [80, 0], sizes = [80, 128], strides = [1, 1]} : vector<640x128xf32> to vector<80x128xf32>
    %mul3A_559 = vector.broadcast %rsqrt3A_506 : vector<80x1xf32> to vector<80x128xf32>
    %mul3A_560 = arith.mulf %mul3A_559, %slice3A_558 : vector<80x128xf32>
    %dot_general3A_561 = arith.constant dense<0.000000e+00> : vector<80x128xf32>
    %dot_general3A_562 = tpu.matmul %add3A_502, %mul3A_560, %dot_general3A_561 {dimension_numbers = #tpu.dot_dimension_numbers<[1], [0], [0], [1], [0, 0, 1, 1], [], []>, precision = #tpu.contract_precision<fp32>, transpose_lhs_hint = false} : vector<80x80xf32>, vector<80x128xf32>, vector<80x128xf32> -> vector<80x128xf32>
    %mul3A_563 = vector.broadcast %rsqrt3A_506 : vector<80x1xf32> to vector<80x128xf32>
    %mul3A_564 = arith.mulf %mul3A_563, %dot_general3A_562 : vector<80x128xf32>
    %slice3A_565 = vector.extract_strided_slice %dot_general3A_550 {offsets = [160, 0], sizes = [80, 128], strides = [1, 1]} : vector<640x128xf32> to vector<80x128xf32>
    %mul3A_566 = vector.broadcast %rsqrt3A_513 : vector<80x1xf32> to vector<80x128xf32>
    %mul3A_567 = arith.mulf %mul3A_566, %slice3A_565 : vector<80x128xf32>
    %dot_general3A_568 = arith.constant dense<0.000000e+00> : vector<80x128xf32>
    %dot_general3A_569 = tpu.matmul %add3A_509, %mul3A_567, %dot_general3A_568 {dimension_numbers = #tpu.dot_dimension_numbers<[1], [0], [0], [1], [0, 0, 1, 1], [], []>, precision = #tpu.contract_precision<fp32>, transpose_lhs_hint = false} : vector<80x80xf32>, vector<80x128xf32>, vector<80x128xf32> -> vector<80x128xf32>
    %mul3A_570 = vector.broadcast %rsqrt3A_513 : vector<80x1xf32> to vector<80x128xf32>
    %mul3A_571 = arith.mulf %mul3A_570, %dot_general3A_569 : vector<80x128xf32>
    %slice3A_572 = vector.extract_strided_slice %dot_general3A_550 {offsets = [240, 0], sizes = [80, 128], strides = [1, 1]} : vector<640x128xf32> to vector<80x128xf32>
    %mul3A_573 = vector.broadcast %rsqrt3A_520 : vector<80x1xf32> to vector<80x128xf32>
    %mul3A_574 = arith.mulf %mul3A_573, %slice3A_572 : vector<80x128xf32>
    %dot_general3A_575 = arith.constant dense<0.000000e+00> : vector<80x128xf32>
    %dot_general3A_576 = tpu.matmul %add3A_516, %mul3A_574, %dot_general3A_575 {dimension_numbers = #tpu.dot_dimension_numbers<[1], [0], [0], [1], [0, 0, 1, 1], [], []>, precision = #tpu.contract_precision<fp32>, transpose_lhs_hint = false} : vector<80x80xf32>, vector<80x128xf32>, vector<80x128xf32> -> vector<80x128xf32>
    %mul3A_577 = vector.broadcast %rsqrt3A_520 : vector<80x1xf32> to vector<80x128xf32>
    %mul3A_578 = arith.mulf %mul3A_577, %dot_general3A_576 : vector<80x128xf32>
    %slice3A_579 = vector.extract_strided_slice %dot_general3A_550 {offsets = [320, 0], sizes = [80, 128], strides = [1, 1]} : vector<640x128xf32> to vector<80x128xf32>
    %mul3A_580 = vector.broadcast %rsqrt3A_527 : vector<80x1xf32> to vector<80x128xf32>
    %mul3A_581 = arith.mulf %mul3A_580, %slice3A_579 : vector<80x128xf32>
    %dot_general3A_582 = arith.constant dense<0.000000e+00> : vector<80x128xf32>
    %dot_general3A_583 = tpu.matmul %add3A_523, %mul3A_581, %dot_general3A_582 {dimension_numbers = #tpu.dot_dimension_numbers<[1], [0], [0], [1], [0, 0, 1, 1], [], []>, precision = #tpu.contract_precision<fp32>, transpose_lhs_hint = false} : vector<80x80xf32>, vector<80x128xf32>, vector<80x128xf32> -> vector<80x128xf32>
    %mul3A_584 = vector.broadcast %rsqrt3A_527 : vector<80x1xf32> to vector<80x128xf32>
    %mul3A_585 = arith.mulf %mul3A_584, %dot_general3A_583 : vector<80x128xf32>
    %slice3A_586 = vector.extract_strided_slice %dot_general3A_550 {offsets = [400, 0], sizes = [80, 128], strides = [1, 1]} : vector<640x128xf32> to vector<80x128xf32>
    %mul3A_587 = vector.broadcast %rsqrt3A_534 : vector<80x1xf32> to vector<80x128xf32>
    %mul3A_588 = arith.mulf %mul3A_587, %slice3A_586 : vector<80x128xf32>
    %dot_general3A_589 = arith.constant dense<0.000000e+00> : vector<80x128xf32>
    %dot_general3A_590 = tpu.matmul %add3A_530, %mul3A_588, %dot_general3A_589 {dimension_numbers = #tpu.dot_dimension_numbers<[1], [0], [0], [1], [0, 0, 1, 1], [], []>, precision = #tpu.contract_precision<fp32>, transpose_lhs_hint = false} : vector<80x80xf32>, vector<80x128xf32>, vector<80x128xf32> -> vector<80x128xf32>
    %mul3A_591 = vector.broadcast %rsqrt3A_534 : vector<80x1xf32> to vector<80x128xf32>
    %mul3A_592 = arith.mulf %mul3A_591, %dot_general3A_590 : vector<80x128xf32>
    %slice3A_593 = vector.extract_strided_slice %dot_general3A_550 {offsets = [480, 0], sizes = [80, 128], strides = [1, 1]} : vector<640x128xf32> to vector<80x128xf32>
    %mul3A_594 = vector.broadcast %rsqrt3A_541 : vector<80x1xf32> to vector<80x128xf32>
    %mul3A_595 = arith.mulf %mul3A_594, %slice3A_593 : vector<80x128xf32>
    %dot_general3A_596 = arith.constant dense<0.000000e+00> : vector<80x128xf32>
    %dot_general3A_597 = tpu.matmul %add3A_537, %mul3A_595, %dot_general3A_596 {dimension_numbers = #tpu.dot_dimension_numbers<[1], [0], [0], [1], [0, 0, 1, 1], [], []>, precision = #tpu.contract_precision<fp32>, transpose_lhs_hint = false} : vector<80x80xf32>, vector<80x128xf32>, vector<80x128xf32> -> vector<80x128xf32>
    %mul3A_598 = vector.broadcast %rsqrt3A_541 : vector<80x1xf32> to vector<80x128xf32>
    %mul3A_599 = arith.mulf %mul3A_598, %dot_general3A_597 : vector<80x128xf32>
    %slice3A_600 = vector.extract_strided_slice %dot_general3A_550 {offsets = [560, 0], sizes = [80, 128], strides = [1, 1]} : vector<640x128xf32> to vector<80x128xf32>
    %mul3A_601 = vector.broadcast %rsqrt3A_548 : vector<80x1xf32> to vector<80x128xf32>
    %mul3A_602 = arith.mulf %mul3A_601, %slice3A_600 : vector<80x128xf32>
    %dot_general3A_603 = arith.constant dense<0.000000e+00> : vector<80x128xf32>
    %dot_general3A_604 = tpu.matmul %add3A_544, %mul3A_602, %dot_general3A_603 {dimension_numbers = #tpu.dot_dimension_numbers<[1], [0], [0], [1], [0, 0, 1, 1], [], []>, precision = #tpu.contract_precision<fp32>, transpose_lhs_hint = false} : vector<80x80xf32>, vector<80x128xf32>, vector<80x128xf32> -> vector<80x128xf32>
    %mul3A_605 = vector.broadcast %rsqrt3A_548 : vector<80x1xf32> to vector<80x128xf32>
    %mul3A_606 = arith.mulf %mul3A_605, %dot_general3A_604 : vector<80x128xf32>
    %concatenate3A_607 = tpu.concatenate %mul3A_557, %mul3A_564, %mul3A_571, %mul3A_578, %mul3A_585, %mul3A_592, %mul3A_599, %mul3A_606 in 0 : vector<80x128xf32>, vector<80x128xf32>, vector<80x128xf32>, vector<80x128xf32>, vector<80x128xf32>, vector<80x128xf32>, vector<80x128xf32>, vector<80x128xf32> -> vector<640x128xf32>
    %add3A_608 = vector.broadcast %get3A_10 : vector<1x128xf32> to vector<640x128xf32>
    %add3A_609 = arith.addf %concatenate3A_607, %add3A_608 : vector<640x128xf32>
    %max3A_610 = arith.constant 0.000000e+00 : f32
    %max3A_611 = vector.broadcast %max3A_610 : f32 to vector<640x128xf32>
    %max3A_612 = arith.maximumf %add3A_609, %max3A_611 : vector<640x128xf32>
    %dot_general3A_613 = arith.constant dense<0.000000e+00> : vector<640x128xf32>
    %dot_general3A_614 = tpu.matmul %max3A_612, %get3A_4, %dot_general3A_613 {dimension_numbers = #tpu.dot_dimension_numbers<[1], [0], [0], [1], [0, 0, 1, 1], [], []>, precision = #tpu.contract_precision<fp32>, transpose_lhs_hint = false} : vector<640x128xf32>, vector<128x128xf32>, vector<640x128xf32> -> vector<640x128xf32>
    %slice3A_615 = vector.extract_strided_slice %dot_general3A_614 {offsets = [0, 0], sizes = [80, 128], strides = [1, 1]} : vector<640x128xf32> to vector<80x128xf32>
    %mul3A_616 = vector.broadcast %rsqrt3A_499 : vector<80x1xf32> to vector<80x128xf32>
    %mul3A_617 = arith.mulf %mul3A_616, %slice3A_615 : vector<80x128xf32>
    %dot_general3A_618 = arith.constant dense<0.000000e+00> : vector<80x128xf32>
    %dot_general3A_619 = tpu.matmul %add3A_495, %mul3A_617, %dot_general3A_618 {dimension_numbers = #tpu.dot_dimension_numbers<[1], [0], [0], [1], [0, 0, 1, 1], [], []>, precision = #tpu.contract_precision<fp32>, transpose_lhs_hint = false} : vector<80x80xf32>, vector<80x128xf32>, vector<80x128xf32> -> vector<80x128xf32>
    %mul3A_620 = vector.broadcast %rsqrt3A_499 : vector<80x1xf32> to vector<80x128xf32>
    %mul3A_621 = arith.mulf %mul3A_620, %dot_general3A_619 : vector<80x128xf32>
    %slice3A_622 = vector.extract_strided_slice %dot_general3A_614 {offsets = [80, 0], sizes = [80, 128], strides = [1, 1]} : vector<640x128xf32> to vector<80x128xf32>
    %mul3A_623 = vector.broadcast %rsqrt3A_506 : vector<80x1xf32> to vector<80x128xf32>
    %mul3A_624 = arith.mulf %mul3A_623, %slice3A_622 : vector<80x128xf32>
    %dot_general3A_625 = arith.constant dense<0.000000e+00> : vector<80x128xf32>
    %dot_general3A_626 = tpu.matmul %add3A_502, %mul3A_624, %dot_general3A_625 {dimension_numbers = #tpu.dot_dimension_numbers<[1], [0], [0], [1], [0, 0, 1, 1], [], []>, precision = #tpu.contract_precision<fp32>, transpose_lhs_hint = false} : vector<80x80xf32>, vector<80x128xf32>, vector<80x128xf32> -> vector<80x128xf32>
    %mul3A_627 = vector.broadcast %rsqrt3A_506 : vector<80x1xf32> to vector<80x128xf32>
    %mul3A_628 = arith.mulf %mul3A_627, %dot_general3A_626 : vector<80x128xf32>
    %slice3A_629 = vector.extract_strided_slice %dot_general3A_614 {offsets = [160, 0], sizes = [80, 128], strides = [1, 1]} : vector<640x128xf32> to vector<80x128xf32>
    %mul3A_630 = vector.broadcast %rsqrt3A_513 : vector<80x1xf32> to vector<80x128xf32>
    %mul3A_631 = arith.mulf %mul3A_630, %slice3A_629 : vector<80x128xf32>
    %dot_general3A_632 = arith.constant dense<0.000000e+00> : vector<80x128xf32>
    %dot_general3A_633 = tpu.matmul %add3A_509, %mul3A_631, %dot_general3A_632 {dimension_numbers = #tpu.dot_dimension_numbers<[1], [0], [0], [1], [0, 0, 1, 1], [], []>, precision = #tpu.contract_precision<fp32>, transpose_lhs_hint = false} : vector<80x80xf32>, vector<80x128xf32>, vector<80x128xf32> -> vector<80x128xf32>
    %mul3A_634 = vector.broadcast %rsqrt3A_513 : vector<80x1xf32> to vector<80x128xf32>
    %mul3A_635 = arith.mulf %mul3A_634, %dot_general3A_633 : vector<80x128xf32>
    %slice3A_636 = vector.extract_strided_slice %dot_general3A_614 {offsets = [240, 0], sizes = [80, 128], strides = [1, 1]} : vector<640x128xf32> to vector<80x128xf32>
    %mul3A_637 = vector.broadcast %rsqrt3A_520 : vector<80x1xf32> to vector<80x128xf32>
    %mul3A_638 = arith.mulf %mul3A_637, %slice3A_636 : vector<80x128xf32>
    %dot_general3A_639 = arith.constant dense<0.000000e+00> : vector<80x128xf32>
    %dot_general3A_640 = tpu.matmul %add3A_516, %mul3A_638, %dot_general3A_639 {dimension_numbers = #tpu.dot_dimension_numbers<[1], [0], [0], [1], [0, 0, 1, 1], [], []>, precision = #tpu.contract_precision<fp32>, transpose_lhs_hint = false} : vector<80x80xf32>, vector<80x128xf32>, vector<80x128xf32> -> vector<80x128xf32>
    %mul3A_641 = vector.broadcast %rsqrt3A_520 : vector<80x1xf32> to vector<80x128xf32>
    %mul3A_642 = arith.mulf %mul3A_641, %dot_general3A_640 : vector<80x128xf32>
    %slice3A_643 = vector.extract_strided_slice %dot_general3A_614 {offsets = [320, 0], sizes = [80, 128], strides = [1, 1]} : vector<640x128xf32> to vector<80x128xf32>
    %mul3A_644 = vector.broadcast %rsqrt3A_527 : vector<80x1xf32> to vector<80x128xf32>
    %mul3A_645 = arith.mulf %mul3A_644, %slice3A_643 : vector<80x128xf32>
    %dot_general3A_646 = arith.constant dense<0.000000e+00> : vector<80x128xf32>
    %dot_general3A_647 = tpu.matmul %add3A_523, %mul3A_645, %dot_general3A_646 {dimension_numbers = #tpu.dot_dimension_numbers<[1], [0], [0], [1], [0, 0, 1, 1], [], []>, precision = #tpu.contract_precision<fp32>, transpose_lhs_hint = false} : vector<80x80xf32>, vector<80x128xf32>, vector<80x128xf32> -> vector<80x128xf32>
    %mul3A_648 = vector.broadcast %rsqrt3A_527 : vector<80x1xf32> to vector<80x128xf32>
    %mul3A_649 = arith.mulf %mul3A_648, %dot_general3A_647 : vector<80x128xf32>
    %slice3A_650 = vector.extract_strided_slice %dot_general3A_614 {offsets = [400, 0], sizes = [80, 128], strides = [1, 1]} : vector<640x128xf32> to vector<80x128xf32>
    %mul3A_651 = vector.broadcast %rsqrt3A_534 : vector<80x1xf32> to vector<80x128xf32>
    %mul3A_652 = arith.mulf %mul3A_651, %slice3A_650 : vector<80x128xf32>
    %dot_general3A_653 = arith.constant dense<0.000000e+00> : vector<80x128xf32>
    %dot_general3A_654 = tpu.matmul %add3A_530, %mul3A_652, %dot_general3A_653 {dimension_numbers = #tpu.dot_dimension_numbers<[1], [0], [0], [1], [0, 0, 1, 1], [], []>, precision = #tpu.contract_precision<fp32>, transpose_lhs_hint = false} : vector<80x80xf32>, vector<80x128xf32>, vector<80x128xf32> -> vector<80x128xf32>
    %mul3A_655 = vector.broadcast %rsqrt3A_534 : vector<80x1xf32> to vector<80x128xf32>
    %mul3A_656 = arith.mulf %mul3A_655, %dot_general3A_654 : vector<80x128xf32>
    %slice3A_657 = vector.extract_strided_slice %dot_general3A_614 {offsets = [480, 0], sizes = [80, 128], strides = [1, 1]} : vector<640x128xf32> to vector<80x128xf32>
    %mul3A_658 = vector.broadcast %rsqrt3A_541 : vector<80x1xf32> to vector<80x128xf32>
    %mul3A_659 = arith.mulf %mul3A_658, %slice3A_657 : vector<80x128xf32>
    %dot_general3A_660 = arith.constant dense<0.000000e+00> : vector<80x128xf32>
    %dot_general3A_661 = tpu.matmul %add3A_537, %mul3A_659, %dot_general3A_660 {dimension_numbers = #tpu.dot_dimension_numbers<[1], [0], [0], [1], [0, 0, 1, 1], [], []>, precision = #tpu.contract_precision<fp32>, transpose_lhs_hint = false} : vector<80x80xf32>, vector<80x128xf32>, vector<80x128xf32> -> vector<80x128xf32>
    %mul3A_662 = vector.broadcast %rsqrt3A_541 : vector<80x1xf32> to vector<80x128xf32>
    %mul3A_663 = arith.mulf %mul3A_662, %dot_general3A_661 : vector<80x128xf32>
    %slice3A_664 = vector.extract_strided_slice %dot_general3A_614 {offsets = [560, 0], sizes = [80, 128], strides = [1, 1]} : vector<640x128xf32> to vector<80x128xf32>
    %mul3A_665 = vector.broadcast %rsqrt3A_548 : vector<80x1xf32> to vector<80x128xf32>
    %mul3A_666 = arith.mulf %mul3A_665, %slice3A_664 : vector<80x128xf32>
    %dot_general3A_667 = arith.constant dense<0.000000e+00> : vector<80x128xf32>
    %dot_general3A_668 = tpu.matmul %add3A_544, %mul3A_666, %dot_general3A_667 {dimension_numbers = #tpu.dot_dimension_numbers<[1], [0], [0], [1], [0, 0, 1, 1], [], []>, precision = #tpu.contract_precision<fp32>, transpose_lhs_hint = false} : vector<80x80xf32>, vector<80x128xf32>, vector<80x128xf32> -> vector<80x128xf32>
    %mul3A_669 = vector.broadcast %rsqrt3A_548 : vector<80x1xf32> to vector<80x128xf32>
    %mul3A_670 = arith.mulf %mul3A_669, %dot_general3A_668 : vector<80x128xf32>
    %concatenate3A_671 = tpu.concatenate %mul3A_621, %mul3A_628, %mul3A_635, %mul3A_642, %mul3A_649, %mul3A_656, %mul3A_663, %mul3A_670 in 0 : vector<80x128xf32>, vector<80x128xf32>, vector<80x128xf32>, vector<80x128xf32>, vector<80x128xf32>, vector<80x128xf32>, vector<80x128xf32>, vector<80x128xf32> -> vector<640x128xf32>
    %add3A_672 = vector.broadcast %get3A_13 : vector<1x128xf32> to vector<640x128xf32>
    %add3A_673 = arith.addf %concatenate3A_671, %add3A_672 : vector<640x128xf32>
    %max3A_674 = arith.constant 0.000000e+00 : f32
    %max3A_675 = vector.broadcast %max3A_674 : f32 to vector<640x128xf32>
    %max3A_676 = arith.maximumf %add3A_673, %max3A_675 : vector<640x128xf32>
    %dot_general3A_677 = arith.constant dense<0.000000e+00> : vector<640x128xf32>
    %dot_general3A_678 = tpu.matmul %max3A_676, %get3A_7, %dot_general3A_677 {dimension_numbers = #tpu.dot_dimension_numbers<[1], [0], [0], [1], [0, 0, 1, 1], [], []>, precision = #tpu.contract_precision<fp32>, transpose_lhs_hint = false} : vector<640x128xf32>, vector<128x128xf32>, vector<640x128xf32> -> vector<640x128xf32>
    %slice3A_679 = vector.extract_strided_slice %dot_general3A_678 {offsets = [0, 0], sizes = [80, 128], strides = [1, 1]} : vector<640x128xf32> to vector<80x128xf32>
    %mul3A_680 = vector.broadcast %rsqrt3A_499 : vector<80x1xf32> to vector<80x128xf32>
    %mul3A_681 = arith.mulf %mul3A_680, %slice3A_679 : vector<80x128xf32>
    %dot_general3A_682 = arith.constant dense<0.000000e+00> : vector<80x128xf32>
    %dot_general3A_683 = tpu.matmul %add3A_495, %mul3A_681, %dot_general3A_682 {dimension_numbers = #tpu.dot_dimension_numbers<[1], [0], [0], [1], [0, 0, 1, 1], [], []>, precision = #tpu.contract_precision<fp32>, transpose_lhs_hint = false} : vector<80x80xf32>, vector<80x128xf32>, vector<80x128xf32> -> vector<80x128xf32>
    %mul3A_684 = vector.broadcast %rsqrt3A_499 : vector<80x1xf32> to vector<80x128xf32>
    %mul3A_685 = arith.mulf %mul3A_684, %dot_general3A_683 : vector<80x128xf32>
    %slice3A_686 = vector.extract_strided_slice %dot_general3A_678 {offsets = [80, 0], sizes = [80, 128], strides = [1, 1]} : vector<640x128xf32> to vector<80x128xf32>
    %mul3A_687 = vector.broadcast %rsqrt3A_506 : vector<80x1xf32> to vector<80x128xf32>
    %mul3A_688 = arith.mulf %mul3A_687, %slice3A_686 : vector<80x128xf32>
    %dot_general3A_689 = arith.constant dense<0.000000e+00> : vector<80x128xf32>
    %dot_general3A_690 = tpu.matmul %add3A_502, %mul3A_688, %dot_general3A_689 {dimension_numbers = #tpu.dot_dimension_numbers<[1], [0], [0], [1], [0, 0, 1, 1], [], []>, precision = #tpu.contract_precision<fp32>, transpose_lhs_hint = false} : vector<80x80xf32>, vector<80x128xf32>, vector<80x128xf32> -> vector<80x128xf32>
    %mul3A_691 = vector.broadcast %rsqrt3A_506 : vector<80x1xf32> to vector<80x128xf32>
    %mul3A_692 = arith.mulf %mul3A_691, %dot_general3A_690 : vector<80x128xf32>
    %slice3A_693 = vector.extract_strided_slice %dot_general3A_678 {offsets = [160, 0], sizes = [80, 128], strides = [1, 1]} : vector<640x128xf32> to vector<80x128xf32>
    %mul3A_694 = vector.broadcast %rsqrt3A_513 : vector<80x1xf32> to vector<80x128xf32>
    %mul3A_695 = arith.mulf %mul3A_694, %slice3A_693 : vector<80x128xf32>
    %dot_general3A_696 = arith.constant dense<0.000000e+00> : vector<80x128xf32>
    %dot_general3A_697 = tpu.matmul %add3A_509, %mul3A_695, %dot_general3A_696 {dimension_numbers = #tpu.dot_dimension_numbers<[1], [0], [0], [1], [0, 0, 1, 1], [], []>, precision = #tpu.contract_precision<fp32>, transpose_lhs_hint = false} : vector<80x80xf32>, vector<80x128xf32>, vector<80x128xf32> -> vector<80x128xf32>
    %mul3A_698 = vector.broadcast %rsqrt3A_513 : vector<80x1xf32> to vector<80x128xf32>
    %mul3A_699 = arith.mulf %mul3A_698, %dot_general3A_697 : vector<80x128xf32>
    %slice3A_700 = vector.extract_strided_slice %dot_general3A_678 {offsets = [240, 0], sizes = [80, 128], strides = [1, 1]} : vector<640x128xf32> to vector<80x128xf32>
    %mul3A_701 = vector.broadcast %rsqrt3A_520 : vector<80x1xf32> to vector<80x128xf32>
    %mul3A_702 = arith.mulf %mul3A_701, %slice3A_700 : vector<80x128xf32>
    %dot_general3A_703 = arith.constant dense<0.000000e+00> : vector<80x128xf32>
    %dot_general3A_704 = tpu.matmul %add3A_516, %mul3A_702, %dot_general3A_703 {dimension_numbers = #tpu.dot_dimension_numbers<[1], [0], [0], [1], [0, 0, 1, 1], [], []>, precision = #tpu.contract_precision<fp32>, transpose_lhs_hint = false} : vector<80x80xf32>, vector<80x128xf32>, vector<80x128xf32> -> vector<80x128xf32>
    %mul3A_705 = vector.broadcast %rsqrt3A_520 : vector<80x1xf32> to vector<80x128xf32>
    %mul3A_706 = arith.mulf %mul3A_705, %dot_general3A_704 : vector<80x128xf32>
    %slice3A_707 = vector.extract_strided_slice %dot_general3A_678 {offsets = [320, 0], sizes = [80, 128], strides = [1, 1]} : vector<640x128xf32> to vector<80x128xf32>
    %mul3A_708 = vector.broadcast %rsqrt3A_527 : vector<80x1xf32> to vector<80x128xf32>
    %mul3A_709 = arith.mulf %mul3A_708, %slice3A_707 : vector<80x128xf32>
    %dot_general3A_710 = arith.constant dense<0.000000e+00> : vector<80x128xf32>
    %dot_general3A_711 = tpu.matmul %add3A_523, %mul3A_709, %dot_general3A_710 {dimension_numbers = #tpu.dot_dimension_numbers<[1], [0], [0], [1], [0, 0, 1, 1], [], []>, precision = #tpu.contract_precision<fp32>, transpose_lhs_hint = false} : vector<80x80xf32>, vector<80x128xf32>, vector<80x128xf32> -> vector<80x128xf32>
    %mul3A_712 = vector.broadcast %rsqrt3A_527 : vector<80x1xf32> to vector<80x128xf32>
    %mul3A_713 = arith.mulf %mul3A_712, %dot_general3A_711 : vector<80x128xf32>
    %slice3A_714 = vector.extract_strided_slice %dot_general3A_678 {offsets = [400, 0], sizes = [80, 128], strides = [1, 1]} : vector<640x128xf32> to vector<80x128xf32>
    %mul3A_715 = vector.broadcast %rsqrt3A_534 : vector<80x1xf32> to vector<80x128xf32>
    %mul3A_716 = arith.mulf %mul3A_715, %slice3A_714 : vector<80x128xf32>
    %dot_general3A_717 = arith.constant dense<0.000000e+00> : vector<80x128xf32>
    %dot_general3A_718 = tpu.matmul %add3A_530, %mul3A_716, %dot_general3A_717 {dimension_numbers = #tpu.dot_dimension_numbers<[1], [0], [0], [1], [0, 0, 1, 1], [], []>, precision = #tpu.contract_precision<fp32>, transpose_lhs_hint = false} : vector<80x80xf32>, vector<80x128xf32>, vector<80x128xf32> -> vector<80x128xf32>
    %mul3A_719 = vector.broadcast %rsqrt3A_534 : vector<80x1xf32> to vector<80x128xf32>
    %mul3A_720 = arith.mulf %mul3A_719, %dot_general3A_718 : vector<80x128xf32>
    %slice3A_721 = vector.extract_strided_slice %dot_general3A_678 {offsets = [480, 0], sizes = [80, 128], strides = [1, 1]} : vector<640x128xf32> to vector<80x128xf32>
    %mul3A_722 = vector.broadcast %rsqrt3A_541 : vector<80x1xf32> to vector<80x128xf32>
    %mul3A_723 = arith.mulf %mul3A_722, %slice3A_721 : vector<80x128xf32>
    %dot_general3A_724 = arith.constant dense<0.000000e+00> : vector<80x128xf32>
    %dot_general3A_725 = tpu.matmul %add3A_537, %mul3A_723, %dot_general3A_724 {dimension_numbers = #tpu.dot_dimension_numbers<[1], [0], [0], [1], [0, 0, 1, 1], [], []>, precision = #tpu.contract_precision<fp32>, transpose_lhs_hint = false} : vector<80x80xf32>, vector<80x128xf32>, vector<80x128xf32> -> vector<80x128xf32>
    %mul3A_726 = vector.broadcast %rsqrt3A_541 : vector<80x1xf32> to vector<80x128xf32>
    %mul3A_727 = arith.mulf %mul3A_726, %dot_general3A_725 : vector<80x128xf32>
    %slice3A_728 = vector.extract_strided_slice %dot_general3A_678 {offsets = [560, 0], sizes = [80, 128], strides = [1, 1]} : vector<640x128xf32> to vector<80x128xf32>
    %mul3A_729 = vector.broadcast %rsqrt3A_548 : vector<80x1xf32> to vector<80x128xf32>
    %mul3A_730 = arith.mulf %mul3A_729, %slice3A_728 : vector<80x128xf32>
    %dot_general3A_731 = arith.constant dense<0.000000e+00> : vector<80x128xf32>
    %dot_general3A_732 = tpu.matmul %add3A_544, %mul3A_730, %dot_general3A_731 {dimension_numbers = #tpu.dot_dimension_numbers<[1], [0], [0], [1], [0, 0, 1, 1], [], []>, precision = #tpu.contract_precision<fp32>, transpose_lhs_hint = false} : vector<80x80xf32>, vector<80x128xf32>, vector<80x128xf32> -> vector<80x128xf32>
    %mul3A_733 = vector.broadcast %rsqrt3A_548 : vector<80x1xf32> to vector<80x128xf32>
    %mul3A_734 = arith.mulf %mul3A_733, %dot_general3A_732 : vector<80x128xf32>
    %concatenate3A_735 = tpu.concatenate %mul3A_685, %mul3A_692, %mul3A_699, %mul3A_706, %mul3A_713, %mul3A_720, %mul3A_727, %mul3A_734 in 0 : vector<80x128xf32>, vector<80x128xf32>, vector<80x128xf32>, vector<80x128xf32>, vector<80x128xf32>, vector<80x128xf32>, vector<80x128xf32>, vector<80x128xf32> -> vector<640x128xf32>
    %add3A_736 = vector.broadcast %get3A_16 : vector<1x128xf32> to vector<640x128xf32>
    %add3A_737 = arith.addf %concatenate3A_735, %add3A_736 : vector<640x128xf32>
    %max3A_738 = arith.constant 0.000000e+00 : f32
    %max3A_739 = vector.broadcast %max3A_738 : f32 to vector<640x128xf32>
    %max3A_740 = arith.maximumf %add3A_737, %max3A_739 : vector<640x128xf32>
    %slice3A_741 = vector.extract_strided_slice %max3A_740 {offsets = [0, 0], sizes = [80, 128], strides = [1, 1]} : vector<640x128xf32> to vector<80x128xf32>
    %slice3A_742 = vector.extract_strided_slice %get3A_483 {offsets = [0, 0], sizes = [1, 128], strides = [1, 1]} : vector<8x128xf32> to vector<1x128xf32>
    %reduce_sum3A_743 = arith.constant dense<0.000000e+00> : vector<128xf32>
    %reduce_sum3A_744 = vector.multi_reduction <add>, %slice3A_741, %reduce_sum3A_743 [0] : vector<80x128xf32> to vector<128xf32>
    %broadcast_in_dim3A_745 = vector.shape_cast %reduce_sum3A_744 : vector<128xf32> to vector<1x128xf32>
    %div3A_746 = arith.divf %broadcast_in_dim3A_745, %slice3A_742 : vector<1x128xf32>
    %dot_general3A_747 = arith.constant dense<0.000000e+00> : vector<1x128xf32>
    %dot_general3A_748 = tpu.matmul %div3A_746, %get3A_19, %dot_general3A_747 {dimension_numbers = #tpu.dot_dimension_numbers<[1], [0], [0], [1], [0, 0, 1, 1], [], []>, precision = #tpu.contract_precision<fp32>, transpose_lhs_hint = false} : vector<1x128xf32>, vector<128x128xf32>, vector<1x128xf32> -> vector<1x128xf32>
    %tanh3A_749 = math.tanh %dot_general3A_748 : vector<1x128xf32>
    %mul3A_750 = vector.broadcast %tanh3A_749 : vector<1x128xf32> to vector<80x128xf32>
    %mul3A_751 = arith.mulf %slice3A_741, %mul3A_750 : vector<80x128xf32>
    %reduce_sum3A_752 = arith.constant dense<0.000000e+00> : vector<80xf32>
    %reduce_sum3A_753 = vector.multi_reduction <add>, %mul3A_751, %reduce_sum3A_752 [1] : vector<80x128xf32> to vector<80xf32>
    %broadcast_in_dim3A_754 = vector.shape_cast %reduce_sum3A_753 : vector<80xf32> to vector<80x1xf32>
    %logistic3A_755 = arith.negf %broadcast_in_dim3A_754 : vector<80x1xf32>
    %logistic3A_756 = math.exp %logistic3A_755 : vector<80x1xf32>
    %logistic3A_757 = arith.constant 1.000000e+00 : f32
    %logistic3A_758 = vector.broadcast %logistic3A_757 : f32 to vector<80x1xf32>
    %logistic3A_759 = arith.addf %logistic3A_758, %logistic3A_756 : vector<80x1xf32>
    %logistic3A_760 = arith.divf %logistic3A_758, %logistic3A_759 : vector<80x1xf32>
    %mul3A_761 = vector.broadcast %logistic3A_760 : vector<80x1xf32> to vector<80x128xf32>
    %mul3A_762 = arith.mulf %slice3A_741, %mul3A_761 : vector<80x128xf32>
    %reduce_sum3A_763 = arith.constant dense<0.000000e+00> : vector<128xf32>
    %reduce_sum3A_764 = vector.multi_reduction <add>, %mul3A_762, %reduce_sum3A_763 [0] : vector<80x128xf32> to vector<128xf32>
    %broadcast_in_dim3A_765 = vector.shape_cast %reduce_sum3A_764 : vector<128xf32> to vector<1x128xf32>
    %slice3A_766 = vector.extract_strided_slice %max3A_740 {offsets = [80, 0], sizes = [80, 128], strides = [1, 1]} : vector<640x128xf32> to vector<80x128xf32>
    %slice3A_767 = vector.extract_strided_slice %get3A_483 {offsets = [1, 0], sizes = [1, 128], strides = [1, 1]} : vector<8x128xf32> to vector<1x128xf32>
    %reduce_sum3A_768 = arith.constant dense<0.000000e+00> : vector<128xf32>
    %reduce_sum3A_769 = vector.multi_reduction <add>, %slice3A_766, %reduce_sum3A_768 [0] : vector<80x128xf32> to vector<128xf32>
    %broadcast_in_dim3A_770 = vector.shape_cast %reduce_sum3A_769 : vector<128xf32> to vector<1x128xf32>
    %div3A_771 = arith.divf %broadcast_in_dim3A_770, %slice3A_767 : vector<1x128xf32>
    %dot_general3A_772 = arith.constant dense<0.000000e+00> : vector<1x128xf32>
    %dot_general3A_773 = tpu.matmul %div3A_771, %get3A_19, %dot_general3A_772 {dimension_numbers = #tpu.dot_dimension_numbers<[1], [0], [0], [1], [0, 0, 1, 1], [], []>, precision = #tpu.contract_precision<fp32>, transpose_lhs_hint = false} : vector<1x128xf32>, vector<128x128xf32>, vector<1x128xf32> -> vector<1x128xf32>
    %tanh3A_774 = math.tanh %dot_general3A_773 : vector<1x128xf32>
    %mul3A_775 = vector.broadcast %tanh3A_774 : vector<1x128xf32> to vector<80x128xf32>
    %mul3A_776 = arith.mulf %slice3A_766, %mul3A_775 : vector<80x128xf32>
    %reduce_sum3A_777 = arith.constant dense<0.000000e+00> : vector<80xf32>
    %reduce_sum3A_778 = vector.multi_reduction <add>, %mul3A_776, %reduce_sum3A_777 [1] : vector<80x128xf32> to vector<80xf32>
    %broadcast_in_dim3A_779 = vector.shape_cast %reduce_sum3A_778 : vector<80xf32> to vector<80x1xf32>
    %logistic3A_780 = arith.negf %broadcast_in_dim3A_779 : vector<80x1xf32>
    %logistic3A_781 = math.exp %logistic3A_780 : vector<80x1xf32>
    %logistic3A_782 = arith.constant 1.000000e+00 : f32
    %logistic3A_783 = vector.broadcast %logistic3A_782 : f32 to vector<80x1xf32>
    %logistic3A_784 = arith.addf %logistic3A_783, %logistic3A_781 : vector<80x1xf32>
    %logistic3A_785 = arith.divf %logistic3A_783, %logistic3A_784 : vector<80x1xf32>
    %mul3A_786 = vector.broadcast %logistic3A_785 : vector<80x1xf32> to vector<80x128xf32>
    %mul3A_787 = arith.mulf %slice3A_766, %mul3A_786 : vector<80x128xf32>
    %reduce_sum3A_788 = arith.constant dense<0.000000e+00> : vector<128xf32>
    %reduce_sum3A_789 = vector.multi_reduction <add>, %mul3A_787, %reduce_sum3A_788 [0] : vector<80x128xf32> to vector<128xf32>
    %broadcast_in_dim3A_790 = vector.shape_cast %reduce_sum3A_789 : vector<128xf32> to vector<1x128xf32>
    %slice3A_791 = vector.extract_strided_slice %max3A_740 {offsets = [160, 0], sizes = [80, 128], strides = [1, 1]} : vector<640x128xf32> to vector<80x128xf32>
    %slice3A_792 = vector.extract_strided_slice %get3A_483 {offsets = [2, 0], sizes = [1, 128], strides = [1, 1]} : vector<8x128xf32> to vector<1x128xf32>
    %reduce_sum3A_793 = arith.constant dense<0.000000e+00> : vector<128xf32>
    %reduce_sum3A_794 = vector.multi_reduction <add>, %slice3A_791, %reduce_sum3A_793 [0] : vector<80x128xf32> to vector<128xf32>
    %broadcast_in_dim3A_795 = vector.shape_cast %reduce_sum3A_794 : vector<128xf32> to vector<1x128xf32>
    %div3A_796 = arith.divf %broadcast_in_dim3A_795, %slice3A_792 : vector<1x128xf32>
    %dot_general3A_797 = arith.constant dense<0.000000e+00> : vector<1x128xf32>
    %dot_general3A_798 = tpu.matmul %div3A_796, %get3A_19, %dot_general3A_797 {dimension_numbers = #tpu.dot_dimension_numbers<[1], [0], [0], [1], [0, 0, 1, 1], [], []>, precision = #tpu.contract_precision<fp32>, transpose_lhs_hint = false} : vector<1x128xf32>, vector<128x128xf32>, vector<1x128xf32> -> vector<1x128xf32>
    %tanh3A_799 = math.tanh %dot_general3A_798 : vector<1x128xf32>
    %mul3A_800 = vector.broadcast %tanh3A_799 : vector<1x128xf32> to vector<80x128xf32>
    %mul3A_801 = arith.mulf %slice3A_791, %mul3A_800 : vector<80x128xf32>
    %reduce_sum3A_802 = arith.constant dense<0.000000e+00> : vector<80xf32>
    %reduce_sum3A_803 = vector.multi_reduction <add>, %mul3A_801, %reduce_sum3A_802 [1] : vector<80x128xf32> to vector<80xf32>
    %broadcast_in_dim3A_804 = vector.shape_cast %reduce_sum3A_803 : vector<80xf32> to vector<80x1xf32>
    %logistic3A_805 = arith.negf %broadcast_in_dim3A_804 : vector<80x1xf32>
    %logistic3A_806 = math.exp %logistic3A_805 : vector<80x1xf32>
    %logistic3A_807 = arith.constant 1.000000e+00 : f32
    %logistic3A_808 = vector.broadcast %logistic3A_807 : f32 to vector<80x1xf32>
    %logistic3A_809 = arith.addf %logistic3A_808, %logistic3A_806 : vector<80x1xf32>
    %logistic3A_810 = arith.divf %logistic3A_808, %logistic3A_809 : vector<80x1xf32>
    %mul3A_811 = vector.broadcast %logistic3A_810 : vector<80x1xf32> to vector<80x128xf32>
    %mul3A_812 = arith.mulf %slice3A_791, %mul3A_811 : vector<80x128xf32>
    %reduce_sum3A_813 = arith.constant dense<0.000000e+00> : vector<128xf32>
    %reduce_sum3A_814 = vector.multi_reduction <add>, %mul3A_812, %reduce_sum3A_813 [0] : vector<80x128xf32> to vector<128xf32>
    %broadcast_in_dim3A_815 = vector.shape_cast %reduce_sum3A_814 : vector<128xf32> to vector<1x128xf32>
    %slice3A_816 = vector.extract_strided_slice %max3A_740 {offsets = [240, 0], sizes = [80, 128], strides = [1, 1]} : vector<640x128xf32> to vector<80x128xf32>
    %slice3A_817 = vector.extract_strided_slice %get3A_483 {offsets = [3, 0], sizes = [1, 128], strides = [1, 1]} : vector<8x128xf32> to vector<1x128xf32>
    %reduce_sum3A_818 = arith.constant dense<0.000000e+00> : vector<128xf32>
    %reduce_sum3A_819 = vector.multi_reduction <add>, %slice3A_816, %reduce_sum3A_818 [0] : vector<80x128xf32> to vector<128xf32>
    %broadcast_in_dim3A_820 = vector.shape_cast %reduce_sum3A_819 : vector<128xf32> to vector<1x128xf32>
    %div3A_821 = arith.divf %broadcast_in_dim3A_820, %slice3A_817 : vector<1x128xf32>
    %dot_general3A_822 = arith.constant dense<0.000000e+00> : vector<1x128xf32>
    %dot_general3A_823 = tpu.matmul %div3A_821, %get3A_19, %dot_general3A_822 {dimension_numbers = #tpu.dot_dimension_numbers<[1], [0], [0], [1], [0, 0, 1, 1], [], []>, precision = #tpu.contract_precision<fp32>, transpose_lhs_hint = false} : vector<1x128xf32>, vector<128x128xf32>, vector<1x128xf32> -> vector<1x128xf32>
    %tanh3A_824 = math.tanh %dot_general3A_823 : vector<1x128xf32>
    %mul3A_825 = vector.broadcast %tanh3A_824 : vector<1x128xf32> to vector<80x128xf32>
    %mul3A_826 = arith.mulf %slice3A_816, %mul3A_825 : vector<80x128xf32>
    %reduce_sum3A_827 = arith.constant dense<0.000000e+00> : vector<80xf32>
    %reduce_sum3A_828 = vector.multi_reduction <add>, %mul3A_826, %reduce_sum3A_827 [1] : vector<80x128xf32> to vector<80xf32>
    %broadcast_in_dim3A_829 = vector.shape_cast %reduce_sum3A_828 : vector<80xf32> to vector<80x1xf32>
    %logistic3A_830 = arith.negf %broadcast_in_dim3A_829 : vector<80x1xf32>
    %logistic3A_831 = math.exp %logistic3A_830 : vector<80x1xf32>
    %logistic3A_832 = arith.constant 1.000000e+00 : f32
    %logistic3A_833 = vector.broadcast %logistic3A_832 : f32 to vector<80x1xf32>
    %logistic3A_834 = arith.addf %logistic3A_833, %logistic3A_831 : vector<80x1xf32>
    %logistic3A_835 = arith.divf %logistic3A_833, %logistic3A_834 : vector<80x1xf32>
    %mul3A_836 = vector.broadcast %logistic3A_835 : vector<80x1xf32> to vector<80x128xf32>
    %mul3A_837 = arith.mulf %slice3A_816, %mul3A_836 : vector<80x128xf32>
    %reduce_sum3A_838 = arith.constant dense<0.000000e+00> : vector<128xf32>
    %reduce_sum3A_839 = vector.multi_reduction <add>, %mul3A_837, %reduce_sum3A_838 [0] : vector<80x128xf32> to vector<128xf32>
    %broadcast_in_dim3A_840 = vector.shape_cast %reduce_sum3A_839 : vector<128xf32> to vector<1x128xf32>
    %slice3A_841 = vector.extract_strided_slice %max3A_740 {offsets = [320, 0], sizes = [80, 128], strides = [1, 1]} : vector<640x128xf32> to vector<80x128xf32>
    %slice3A_842 = vector.extract_strided_slice %get3A_483 {offsets = [4, 0], sizes = [1, 128], strides = [1, 1]} : vector<8x128xf32> to vector<1x128xf32>
    %reduce_sum3A_843 = arith.constant dense<0.000000e+00> : vector<128xf32>
    %reduce_sum3A_844 = vector.multi_reduction <add>, %slice3A_841, %reduce_sum3A_843 [0] : vector<80x128xf32> to vector<128xf32>
    %broadcast_in_dim3A_845 = vector.shape_cast %reduce_sum3A_844 : vector<128xf32> to vector<1x128xf32>
    %div3A_846 = arith.divf %broadcast_in_dim3A_845, %slice3A_842 : vector<1x128xf32>
    %dot_general3A_847 = arith.constant dense<0.000000e+00> : vector<1x128xf32>
    %dot_general3A_848 = tpu.matmul %div3A_846, %get3A_19, %dot_general3A_847 {dimension_numbers = #tpu.dot_dimension_numbers<[1], [0], [0], [1], [0, 0, 1, 1], [], []>, precision = #tpu.contract_precision<fp32>, transpose_lhs_hint = false} : vector<1x128xf32>, vector<128x128xf32>, vector<1x128xf32> -> vector<1x128xf32>
    %tanh3A_849 = math.tanh %dot_general3A_848 : vector<1x128xf32>
    %mul3A_850 = vector.broadcast %tanh3A_849 : vector<1x128xf32> to vector<80x128xf32>
    %mul3A_851 = arith.mulf %slice3A_841, %mul3A_850 : vector<80x128xf32>
    %reduce_sum3A_852 = arith.constant dense<0.000000e+00> : vector<80xf32>
    %reduce_sum3A_853 = vector.multi_reduction <add>, %mul3A_851, %reduce_sum3A_852 [1] : vector<80x128xf32> to vector<80xf32>
    %broadcast_in_dim3A_854 = vector.shape_cast %reduce_sum3A_853 : vector<80xf32> to vector<80x1xf32>
    %logistic3A_855 = arith.negf %broadcast_in_dim3A_854 : vector<80x1xf32>
    %logistic3A_856 = math.exp %logistic3A_855 : vector<80x1xf32>
    %logistic3A_857 = arith.constant 1.000000e+00 : f32
    %logistic3A_858 = vector.broadcast %logistic3A_857 : f32 to vector<80x1xf32>
    %logistic3A_859 = arith.addf %logistic3A_858, %logistic3A_856 : vector<80x1xf32>
    %logistic3A_860 = arith.divf %logistic3A_858, %logistic3A_859 : vector<80x1xf32>
    %mul3A_861 = vector.broadcast %logistic3A_860 : vector<80x1xf32> to vector<80x128xf32>
    %mul3A_862 = arith.mulf %slice3A_841, %mul3A_861 : vector<80x128xf32>
    %reduce_sum3A_863 = arith.constant dense<0.000000e+00> : vector<128xf32>
    %reduce_sum3A_864 = vector.multi_reduction <add>, %mul3A_862, %reduce_sum3A_863 [0] : vector<80x128xf32> to vector<128xf32>
    %broadcast_in_dim3A_865 = vector.shape_cast %reduce_sum3A_864 : vector<128xf32> to vector<1x128xf32>
    %slice3A_866 = vector.extract_strided_slice %max3A_740 {offsets = [400, 0], sizes = [80, 128], strides = [1, 1]} : vector<640x128xf32> to vector<80x128xf32>
    %slice3A_867 = vector.extract_strided_slice %get3A_483 {offsets = [5, 0], sizes = [1, 128], strides = [1, 1]} : vector<8x128xf32> to vector<1x128xf32>
    %reduce_sum3A_868 = arith.constant dense<0.000000e+00> : vector<128xf32>
    %reduce_sum3A_869 = vector.multi_reduction <add>, %slice3A_866, %reduce_sum3A_868 [0] : vector<80x128xf32> to vector<128xf32>
    %broadcast_in_dim3A_870 = vector.shape_cast %reduce_sum3A_869 : vector<128xf32> to vector<1x128xf32>
    %div3A_871 = arith.divf %broadcast_in_dim3A_870, %slice3A_867 : vector<1x128xf32>
    %dot_general3A_872 = arith.constant dense<0.000000e+00> : vector<1x128xf32>
    %dot_general3A_873 = tpu.matmul %div3A_871, %get3A_19, %dot_general3A_872 {dimension_numbers = #tpu.dot_dimension_numbers<[1], [0], [0], [1], [0, 0, 1, 1], [], []>, precision = #tpu.contract_precision<fp32>, transpose_lhs_hint = false} : vector<1x128xf32>, vector<128x128xf32>, vector<1x128xf32> -> vector<1x128xf32>
    %tanh3A_874 = math.tanh %dot_general3A_873 : vector<1x128xf32>
    %mul3A_875 = vector.broadcast %tanh3A_874 : vector<1x128xf32> to vector<80x128xf32>
    %mul3A_876 = arith.mulf %slice3A_866, %mul3A_875 : vector<80x128xf32>
    %reduce_sum3A_877 = arith.constant dense<0.000000e+00> : vector<80xf32>
    %reduce_sum3A_878 = vector.multi_reduction <add>, %mul3A_876, %reduce_sum3A_877 [1] : vector<80x128xf32> to vector<80xf32>
    %broadcast_in_dim3A_879 = vector.shape_cast %reduce_sum3A_878 : vector<80xf32> to vector<80x1xf32>
    %logistic3A_880 = arith.negf %broadcast_in_dim3A_879 : vector<80x1xf32>
    %logistic3A_881 = math.exp %logistic3A_880 : vector<80x1xf32>
    %logistic3A_882 = arith.constant 1.000000e+00 : f32
    %logistic3A_883 = vector.broadcast %logistic3A_882 : f32 to vector<80x1xf32>
    %logistic3A_884 = arith.addf %logistic3A_883, %logistic3A_881 : vector<80x1xf32>
    %logistic3A_885 = arith.divf %logistic3A_883, %logistic3A_884 : vector<80x1xf32>
    %mul3A_886 = vector.broadcast %logistic3A_885 : vector<80x1xf32> to vector<80x128xf32>
    %mul3A_887 = arith.mulf %slice3A_866, %mul3A_886 : vector<80x128xf32>
    %reduce_sum3A_888 = arith.constant dense<0.000000e+00> : vector<128xf32>
    %reduce_sum3A_889 = vector.multi_reduction <add>, %mul3A_887, %reduce_sum3A_888 [0] : vector<80x128xf32> to vector<128xf32>
    %broadcast_in_dim3A_890 = vector.shape_cast %reduce_sum3A_889 : vector<128xf32> to vector<1x128xf32>
    %slice3A_891 = vector.extract_strided_slice %max3A_740 {offsets = [480, 0], sizes = [80, 128], strides = [1, 1]} : vector<640x128xf32> to vector<80x128xf32>
    %slice3A_892 = vector.extract_strided_slice %get3A_483 {offsets = [6, 0], sizes = [1, 128], strides = [1, 1]} : vector<8x128xf32> to vector<1x128xf32>
    %reduce_sum3A_893 = arith.constant dense<0.000000e+00> : vector<128xf32>
    %reduce_sum3A_894 = vector.multi_reduction <add>, %slice3A_891, %reduce_sum3A_893 [0] : vector<80x128xf32> to vector<128xf32>
    %broadcast_in_dim3A_895 = vector.shape_cast %reduce_sum3A_894 : vector<128xf32> to vector<1x128xf32>
    %div3A_896 = arith.divf %broadcast_in_dim3A_895, %slice3A_892 : vector<1x128xf32>
    %dot_general3A_897 = arith.constant dense<0.000000e+00> : vector<1x128xf32>
    %dot_general3A_898 = tpu.matmul %div3A_896, %get3A_19, %dot_general3A_897 {dimension_numbers = #tpu.dot_dimension_numbers<[1], [0], [0], [1], [0, 0, 1, 1], [], []>, precision = #tpu.contract_precision<fp32>, transpose_lhs_hint = false} : vector<1x128xf32>, vector<128x128xf32>, vector<1x128xf32> -> vector<1x128xf32>
    %tanh3A_899 = math.tanh %dot_general3A_898 : vector<1x128xf32>
    %mul3A_900 = vector.broadcast %tanh3A_899 : vector<1x128xf32> to vector<80x128xf32>
    %mul3A_901 = arith.mulf %slice3A_891, %mul3A_900 : vector<80x128xf32>
    %reduce_sum3A_902 = arith.constant dense<0.000000e+00> : vector<80xf32>
    %reduce_sum3A_903 = vector.multi_reduction <add>, %mul3A_901, %reduce_sum3A_902 [1] : vector<80x128xf32> to vector<80xf32>
    %broadcast_in_dim3A_904 = vector.shape_cast %reduce_sum3A_903 : vector<80xf32> to vector<80x1xf32>
    %logistic3A_905 = arith.negf %broadcast_in_dim3A_904 : vector<80x1xf32>
    %logistic3A_906 = math.exp %logistic3A_905 : vector<80x1xf32>
    %logistic3A_907 = arith.constant 1.000000e+00 : f32
    %logistic3A_908 = vector.broadcast %logistic3A_907 : f32 to vector<80x1xf32>
    %logistic3A_909 = arith.addf %logistic3A_908, %logistic3A_906 : vector<80x1xf32>
    %logistic3A_910 = arith.divf %logistic3A_908, %logistic3A_909 : vector<80x1xf32>
    %mul3A_911 = vector.broadcast %logistic3A_910 : vector<80x1xf32> to vector<80x128xf32>
    %mul3A_912 = arith.mulf %slice3A_891, %mul3A_911 : vector<80x128xf32>
    %reduce_sum3A_913 = arith.constant dense<0.000000e+00> : vector<128xf32>
    %reduce_sum3A_914 = vector.multi_reduction <add>, %mul3A_912, %reduce_sum3A_913 [0] : vector<80x128xf32> to vector<128xf32>
    %broadcast_in_dim3A_915 = vector.shape_cast %reduce_sum3A_914 : vector<128xf32> to vector<1x128xf32>
    %slice3A_916 = vector.extract_strided_slice %max3A_740 {offsets = [560, 0], sizes = [80, 128], strides = [1, 1]} : vector<640x128xf32> to vector<80x128xf32>
    %slice3A_917 = vector.extract_strided_slice %get3A_483 {offsets = [7, 0], sizes = [1, 128], strides = [1, 1]} : vector<8x128xf32> to vector<1x128xf32>
    %reduce_sum3A_918 = arith.constant dense<0.000000e+00> : vector<128xf32>
    %reduce_sum3A_919 = vector.multi_reduction <add>, %slice3A_916, %reduce_sum3A_918 [0] : vector<80x128xf32> to vector<128xf32>
    %broadcast_in_dim3A_920 = vector.shape_cast %reduce_sum3A_919 : vector<128xf32> to vector<1x128xf32>
    %div3A_921 = arith.divf %broadcast_in_dim3A_920, %slice3A_917 : vector<1x128xf32>
    %dot_general3A_922 = arith.constant dense<0.000000e+00> : vector<1x128xf32>
    %dot_general3A_923 = tpu.matmul %div3A_921, %get3A_19, %dot_general3A_922 {dimension_numbers = #tpu.dot_dimension_numbers<[1], [0], [0], [1], [0, 0, 1, 1], [], []>, precision = #tpu.contract_precision<fp32>, transpose_lhs_hint = false} : vector<1x128xf32>, vector<128x128xf32>, vector<1x128xf32> -> vector<1x128xf32>
    %tanh3A_924 = math.tanh %dot_general3A_923 : vector<1x128xf32>
    %mul3A_925 = vector.broadcast %tanh3A_924 : vector<1x128xf32> to vector<80x128xf32>
    %mul3A_926 = arith.mulf %slice3A_916, %mul3A_925 : vector<80x128xf32>
    %reduce_sum3A_927 = arith.constant dense<0.000000e+00> : vector<80xf32>
    %reduce_sum3A_928 = vector.multi_reduction <add>, %mul3A_926, %reduce_sum3A_927 [1] : vector<80x128xf32> to vector<80xf32>
    %broadcast_in_dim3A_929 = vector.shape_cast %reduce_sum3A_928 : vector<80xf32> to vector<80x1xf32>
    %logistic3A_930 = arith.negf %broadcast_in_dim3A_929 : vector<80x1xf32>
    %logistic3A_931 = math.exp %logistic3A_930 : vector<80x1xf32>
    %logistic3A_932 = arith.constant 1.000000e+00 : f32
    %logistic3A_933 = vector.broadcast %logistic3A_932 : f32 to vector<80x1xf32>
    %logistic3A_934 = arith.addf %logistic3A_933, %logistic3A_931 : vector<80x1xf32>
    %logistic3A_935 = arith.divf %logistic3A_933, %logistic3A_934 : vector<80x1xf32>
    %mul3A_936 = vector.broadcast %logistic3A_935 : vector<80x1xf32> to vector<80x128xf32>
    %mul3A_937 = arith.mulf %slice3A_916, %mul3A_936 : vector<80x128xf32>
    %reduce_sum3A_938 = arith.constant dense<0.000000e+00> : vector<128xf32>
    %reduce_sum3A_939 = vector.multi_reduction <add>, %mul3A_937, %reduce_sum3A_938 [0] : vector<80x128xf32> to vector<128xf32>
    %broadcast_in_dim3A_940 = vector.shape_cast %reduce_sum3A_939 : vector<128xf32> to vector<1x128xf32>
    %concatenate3A_941 = tpu.concatenate %broadcast_in_dim3A_765, %broadcast_in_dim3A_790, %broadcast_in_dim3A_815, %broadcast_in_dim3A_840, %broadcast_in_dim3A_865, %broadcast_in_dim3A_890, %broadcast_in_dim3A_915, %broadcast_in_dim3A_940 in 0 : vector<1x128xf32>, vector<1x128xf32>, vector<1x128xf32>, vector<1x128xf32>, vector<1x128xf32>, vector<1x128xf32>, vector<1x128xf32>, vector<1x128xf32> -> vector<8x128xf32>
    %swap3A_942 = arith.constant 0 : index
    %swap3A_943 = arith.constant 0 : index
    %swap3A_944 = vector.load %arg15[%swap3A_942, %swap3A_943] : memref<8x128xf32, #tpu.memory_space<vmem>>, vector<8x128xf32>
    tpu.vector_store %arg15[%swap3A_942, %swap3A_943], %concatenate3A_941 {strides = array<i32>} : memref<8x128xf32, #tpu.memory_space<vmem>>, vector<8x128xf32>,
    return
  }
  func.func @transform_0(%arg0: i32) -> (i32, i32, i32) {
    %c0_i32 = arith.constant 0 : i32
    %c0_i32_0 = arith.constant 0 : i32
    %c0_i32_1 = arith.constant 0 : i32
    return %arg0, %c0_i32, %c0_i32_0 : i32, i32, i32
  }
  func.func @transform_1(%arg0: i32) -> (i32, i32, i32) {
    %c0_i32 = arith.constant 0 : i32
    %c0_i32_0 = arith.constant 0 : i32
    %c0_i32_1 = arith.constant 0 : i32
    return %arg0, %c0_i32, %c0_i32_0 : i32, i32, i32
  }
  func.func @transform_2(%arg0: i32) -> (i32, i32, i32) {
    %c0_i32 = arith.constant 0 : i32
    %c0_i32_0 = arith.constant 0 : i32
    %c0_i32_1 = arith.constant 0 : i32
    return %arg0, %c0_i32, %c0_i32_0 : i32, i32, i32
  }
  func.func @transform_3(%arg0: i32) -> (i32, i32, i32) {
    %c0_i32 = arith.constant 0 : i32
    %c0_i32_0 = arith.constant 0 : i32
    %c0_i32_1 = arith.constant 0 : i32
    return %arg0, %c0_i32, %c0_i32_0 : i32, i32, i32
  }
  func.func @transform_4(%arg0: i32) -> (i32, i32) {
    %c0_i32 = arith.constant 0 : i32
    %c0_i32_0 = arith.constant 0 : i32
    return %arg0, %c0_i32 : i32, i32
  }
  func.func @transform_5(%arg0: i32) -> (i32, i32) {
    %c0_i32 = arith.constant 0 : i32
    %c0_i32_0 = arith.constant 0 : i32
    return %arg0, %c0_i32 : i32, i32
  }
  func.func @transform_6(%arg0: i32) -> (i32, i32) {
    %c0_i32 = arith.constant 0 : i32
    %c0_i32_0 = arith.constant 0 : i32
    %c0_i32_1 = arith.constant 0 : i32
    return %c0_i32, %c0_i32_0 : i32, i32
  }
  func.func @transform_7(%arg0: i32) -> (i32, i32) {
    %c0_i32 = arith.constant 0 : i32
    %c0_i32_0 = arith.constant 0 : i32
    %c0_i32_1 = arith.constant 0 : i32
    return %c0_i32, %c0_i32_0 : i32, i32
  }
  func.func @transform_8(%arg0: i32) -> (i32, i32) {
    %c0_i32 = arith.constant 0 : i32
    %c0_i32_0 = arith.constant 0 : i32
    %c0_i32_1 = arith.constant 0 : i32
    return %c0_i32, %c0_i32_0 : i32, i32
  }
  func.func @transform_9(%arg0: i32) -> (i32, i32) {
    %c0_i32 = arith.constant 0 : i32
    %c0_i32_0 = arith.constant 0 : i32
    %c0_i32_1 = arith.constant 0 : i32
    return %c0_i32, %c0_i32_0 : i32, i32
  }
  func.func @transform_10(%arg0: i32) -> (i32, i32) {
    %c0_i32 = arith.constant 0 : i32
    %c0_i32_0 = arith.constant 0 : i32
    %c0_i32_1 = arith.constant 0 : i32
    return %c0_i32, %c0_i32_0 : i32, i32
  }
  func.func @transform_11(%arg0: i32) -> (i32, i32) {
    %c0_i32 = arith.constant 0 : i32
    %c0_i32_0 = arith.constant 0 : i32
    %c0_i32_1 = arith.constant 0 : i32
    return %c0_i32, %c0_i32_0 : i32, i32
  }
  func.func @transform_12(%arg0: i32) -> (i32, i32) {
    %c0_i32 = arith.constant 0 : i32
    %c0_i32_0 = arith.constant 0 : i32
    %c0_i32_1 = arith.constant 0 : i32
    return %c0_i32, %c0_i32_0 : i32, i32
  }
  func.func @transform_13(%arg0: i32) -> (i32, i32) {
    %c0_i32 = arith.constant 0 : i32
    %c0_i32_0 = arith.constant 0 : i32
    return %arg0, %c0_i32 : i32, i32
  }
  func.func @transform_14(%arg0: i32) -> (i32, i32) {
    %c0_i32 = arith.constant 0 : i32
    %c0_i32_0 = arith.constant 0 : i32
    return %arg0, %c0_i32 : i32, i32
  }
}

module attributes {stable_mosaic.version = 14 : i64} {
  func.func @_stage2_body(%arg0: memref<128x128xf32, #tpu.memory_space<vmem>>, %arg1: memref<128x128xf32, #tpu.memory_space<vmem>>, %arg2: memref<128x2048xf32, #tpu.memory_space<vmem>>, %arg3: memref<128x16xf32, #tpu.memory_space<vmem>>, %arg4: memref<128x16xf32, #tpu.memory_space<vmem>>, %arg5: memref<1x16xf32, #tpu.memory_space<vmem>>, %arg6: memref<16x16xf32, #tpu.memory_space<vmem>>, %arg7: memref<1x16xf32, #tpu.memory_space<vmem>>, %arg8: memref<16x1xf32, #tpu.memory_space<vmem>>, %arg9: memref<1x128xf32, #tpu.memory_space<vmem>>, %arg10: memref<128x128xf32, #tpu.memory_space<vmem>>) attributes {dimension_semantics = [], scalar_prefetch = 0 : i64, scratch_operands = 0 : i64, tpu.core_type = #tpu.core_type<tc>} {
    %get3A = arith.constant 0 : index
    %get3A_0 = arith.constant 0 : index
    %get3A_1 = vector.load %arg0[%get3A, %get3A_0] : memref<128x128xf32, #tpu.memory_space<vmem>>, vector<128x128xf32>
    %get3A_2 = arith.constant 0 : index
    %get3A_3 = arith.constant 0 : index
    %get3A_4 = vector.load %arg1[%get3A_2, %get3A_3] : memref<128x128xf32, #tpu.memory_space<vmem>>, vector<128x128xf32>
    %get3A_5 = arith.constant 0 : index
    %get3A_6 = arith.constant 0 : index
    %get3A_7 = vector.load %arg2[%get3A_5, %get3A_6] : memref<128x2048xf32, #tpu.memory_space<vmem>>, vector<128x2048xf32>
    %dot_general3A = arith.constant dense<0.000000e+00> : vector<128x2048xf32>
    %dot_general3A_8 = tpu.matmul %get3A_1, %get3A_7, %dot_general3A {dimension_numbers = #tpu.dot_dimension_numbers<[1], [0], [0], [1], [0, 0, 1, 1], [], []>, precision = #tpu.contract_precision<fp32>, transpose_lhs_hint = false} : vector<128x128xf32>, vector<128x2048xf32>, vector<128x2048xf32> -> vector<128x2048xf32>
    %reshape3A = vector.shape_cast %dot_general3A_8 : vector<128x2048xf32> to vector<128x16x128xf32>
    %broadcast_in_dim3A = vector.shape_cast %get3A_4 : vector<128x128xf32> to vector<128x1x128xf32>
    %mul3A = vector.broadcast %broadcast_in_dim3A : vector<128x1x128xf32> to vector<128x16x128xf32>
    %mul3A_9 = arith.mulf %reshape3A, %mul3A : vector<128x16x128xf32>
    %reduce_sum3A = arith.constant dense<0.000000e+00> : vector<128x16xf32>
    %reduce_sum3A_10 = vector.multi_reduction <add>, %mul3A_9, %reduce_sum3A [2] : vector<128x16x128xf32> to vector<128x16xf32>
    %get3A_11 = arith.constant 0 : index
    %get3A_12 = arith.constant 0 : index
    %get3A_13 = vector.load %arg3[%get3A_11, %get3A_12] : memref<128x16xf32, #tpu.memory_space<vmem>>, vector<128x16xf32>
    %dot_general3A_14 = arith.constant dense<0.000000e+00> : vector<128x16xf32>
    %dot_general3A_15 = tpu.matmul %get3A_1, %get3A_13, %dot_general3A_14 {dimension_numbers = #tpu.dot_dimension_numbers<[1], [0], [0], [1], [0, 0, 1, 1], [], []>, precision = #tpu.contract_precision<fp32>, transpose_lhs_hint = false} : vector<128x128xf32>, vector<128x16xf32>, vector<128x16xf32> -> vector<128x16xf32>
    %add3A = arith.addf %reduce_sum3A_10, %dot_general3A_15 : vector<128x16xf32>
    %get3A_16 = arith.constant 0 : index
    %get3A_17 = arith.constant 0 : index
    %get3A_18 = vector.load %arg4[%get3A_16, %get3A_17] : memref<128x16xf32, #tpu.memory_space<vmem>>, vector<128x16xf32>
    %dot_general3A_19 = arith.constant dense<0.000000e+00> : vector<128x16xf32>
    %dot_general3A_20 = tpu.matmul %get3A_4, %get3A_18, %dot_general3A_19 {dimension_numbers = #tpu.dot_dimension_numbers<[1], [0], [0], [1], [0, 0, 1, 1], [], []>, precision = #tpu.contract_precision<fp32>, transpose_lhs_hint = false} : vector<128x128xf32>, vector<128x16xf32>, vector<128x16xf32> -> vector<128x16xf32>
    %add3A_21 = arith.addf %add3A, %dot_general3A_20 : vector<128x16xf32>
    %get3A_22 = arith.constant 0 : index
    %get3A_23 = arith.constant 0 : index
    %get3A_24 = vector.load %arg5[%get3A_22, %get3A_23] : memref<1x16xf32, #tpu.memory_space<vmem>>, vector<1x16xf32>
    %add3A_25 = vector.broadcast %get3A_24 : vector<1x16xf32> to vector<128x16xf32>
    %add3A_26 = arith.addf %add3A_21, %add3A_25 : vector<128x16xf32>
    %max3A = arith.constant 0.000000e+00 : f32
    %max3A_27 = vector.broadcast %max3A : f32 to vector<128x16xf32>
    %max3A_28 = arith.maximumf %add3A_26, %max3A_27 : vector<128x16xf32>
    %get3A_29 = arith.constant 0 : index
    %get3A_30 = arith.constant 0 : index
    %get3A_31 = vector.load %arg6[%get3A_29, %get3A_30] : memref<16x16xf32, #tpu.memory_space<vmem>>, vector<16x16xf32>
    %dot_general3A_32 = arith.constant dense<0.000000e+00> : vector<128x16xf32>
    %dot_general3A_33 = tpu.matmul %max3A_28, %get3A_31, %dot_general3A_32 {dimension_numbers = #tpu.dot_dimension_numbers<[1], [0], [0], [1], [0, 0, 1, 1], [], []>, precision = #tpu.contract_precision<fp32>, transpose_lhs_hint = false} : vector<128x16xf32>, vector<16x16xf32>, vector<128x16xf32> -> vector<128x16xf32>
    %get3A_34 = arith.constant 0 : index
    %get3A_35 = arith.constant 0 : index
    %get3A_36 = vector.load %arg7[%get3A_34, %get3A_35] : memref<1x16xf32, #tpu.memory_space<vmem>>, vector<1x16xf32>
    %add3A_37 = vector.broadcast %get3A_36 : vector<1x16xf32> to vector<128x16xf32>
    %add3A_38 = arith.addf %dot_general3A_33, %add3A_37 : vector<128x16xf32>
    %max3A_39 = arith.constant 0.000000e+00 : f32
    %max3A_40 = vector.broadcast %max3A_39 : f32 to vector<128x16xf32>
    %max3A_41 = arith.maximumf %add3A_38, %max3A_40 : vector<128x16xf32>
    %get3A_42 = arith.constant 0 : index
    %get3A_43 = arith.constant 0 : index
    %get3A_44 = vector.load %arg8[%get3A_42, %get3A_43] : memref<16x1xf32, #tpu.memory_space<vmem>>, vector<16x1xf32>
    %dot_general3A_45 = arith.constant dense<0.000000e+00> : vector<128x1xf32>
    %dot_general3A_46 = tpu.matmul %max3A_41, %get3A_44, %dot_general3A_45 {dimension_numbers = #tpu.dot_dimension_numbers<[1], [0], [0], [1], [0, 0, 1, 1], [], []>, precision = #tpu.contract_precision<fp32>, transpose_lhs_hint = false} : vector<128x16xf32>, vector<16x1xf32>, vector<128x1xf32> -> vector<128x1xf32>
    %get3A_47 = arith.constant 0 : index
    %get3A_48 = arith.constant 0 : index
    %get3A_49 = vector.load %arg9[%get3A_47, %get3A_48] : memref<1x128xf32, #tpu.memory_space<vmem>>, vector<1x128xf32>
    %slice3A = vector.extract_strided_slice %get3A_49 {offsets = [0, 0], sizes = [1, 1], strides = [1, 1]} : vector<1x128xf32> to vector<1x1xf32>
    %add3A_50 = vector.broadcast %slice3A : vector<1x1xf32> to vector<128x1xf32>
    %add3A_51 = arith.addf %dot_general3A_46, %add3A_50 : vector<128x1xf32>
    %logistic3A = arith.negf %add3A_51 : vector<128x1xf32>
    %logistic3A_52 = math.exp %logistic3A : vector<128x1xf32>
    %logistic3A_53 = arith.constant 1.000000e+00 : f32
    %logistic3A_54 = vector.broadcast %logistic3A_53 : f32 to vector<128x1xf32>
    %logistic3A_55 = arith.addf %logistic3A_54, %logistic3A_52 : vector<128x1xf32>
    %logistic3A_56 = arith.divf %logistic3A_54, %logistic3A_55 : vector<128x1xf32>
    %broadcast_in_dim3A_57 = vector.shape_cast %logistic3A_56 : vector<128x1xf32> to vector<128x1xf32>
    %broadcast_in_dim3A_58 = vector.broadcast %broadcast_in_dim3A_57 : vector<128x1xf32> to vector<128x128xf32>
    %swap3A = arith.constant 0 : index
    %swap3A_59 = arith.constant 0 : index
    %swap3A_60 = vector.load %arg10[%swap3A, %swap3A_59] : memref<128x128xf32, #tpu.memory_space<vmem>>, vector<128x128xf32>
    tpu.vector_store %arg10[%swap3A, %swap3A_59], %broadcast_in_dim3A_58 {strides = array<i32>} : memref<128x128xf32, #tpu.memory_space<vmem>>, vector<128x128xf32>,
    return
  }
}

</mosaic_0001>

<sc_bundles>
// kernel: kernel.5.cloned.1.call-start
scs
__scs_entry_jumppad:
0x0: {  	(pc) =	sbr.rel $0x88, $3  }
0x1: {  	(tag) =	ssettag $0x0;
	lr =	simm.s32 $0x1  }
0x2: {  	[smem:$0x3F8D] =	sst lr;
	_ =	strace $0xD0000000  }
0x3: {  	_ = 	snop  }
0x4: {  	_ = 	snop  }
0x5: {  	_ = 	snop  }
0x6: {  	_ = 	snop  }
0x7: {  	_ = 	snop  }
__scs_overlays_trampoline_lowered:
0x8: {  	[smem:$0x3F9C] =	sst s0  }
0x9: {  	[smem:$0x3F9D] =	sst s1  }
0xa: {  	[smem:$0x3F9E] =	sst s2  }
0xb: {  	[smem:$0x3F9F] =	sst s3  }
0xc: {  	[smem:$0x3FA0] =	sst s4  }
0xd: {  	[smem:$0x3FA1] =	sst s5  }
0xe: {  	[smem:$0x3FA2] =	sst s6  }
0xf: {  	[smem:$0x3FA3] =	sst s7  }
0x10: {  	[smem:$0x3FA4] =	sst s8  }
0x11: {  	[smem:$0x3FA5] =	sst s9;
	s0 =	simm.s32 @!p0 $0x0  }
0x12: {  	s1 =	sld [smem:$0x3F8B];
	s0 =	simm.s32 @p0 $0x1  }
0x13: {  	[smem:$0x3FA6] =	sst s0;
	s0 =	simm.s32 @!p1 $0x0  }
0x14: {  	s2 =	sld [smem:$0x3F8A];
	s0 =	simm.s32 @p1 $0x1  }
0x15: {  	[smem:$0x3FA7] =	sst s0;
	s0 =	simm.s32 @!p2 $0x0  }
0x16: {  	s3 =	sld [smem:$0x3FDB];
	s0 =	simm.s32 @p2 $0x1  }
0x17: {  	s4 =	simm.s32 $0x1BF5;
	[smem:$0x3FA9] =	sst s0  }
0x18: {  	s0 =	sld [smem:$0x3F8C];
	_ =	swait.ge [sflag:s4], $0x0  }
0x19: {  	s7 =	sld [smem:$0x3F8D]  }
0x1a: {  	s8 =	sadd.s32 $0xFFFFE003, lr  }
0x1b: {  	s9 =	sadd.s32 $0xFFFFFEF7, lr;
	s5 =	simm.s32 $0xFFFFFFFF;
	p2 =	slt.u32 s8, $0xFFFFF086  }
0x1c: {  	p1 =	slt.u32 s9, $0xF7A;
	s5 =	simm.s32 @!p2 $0x0  }
0x1d: {  	s5 =	simm.s32 @p1 $0x1;
	p0 =	seq.s32 s7, s2  }
0x1e: {  	s7 =	smul.u32 @!p0 $0xF7A, s2;
	p2 =	seq.s32 @!p0 s5, $0x0  }
0x1f: {  	s9 =	smul.u32 $0xF7A, s1;
	s8 =	simm.s32 @!p0 $0x1BF5;
	p2 =	por !p2, p0  }
0x20: {  	[sflag:s8] =	ssyncset.s32 @!p0 $0xFFFFF086;
	s6 =	sadd.s32 @!p0 s3, s7;
	s7 =	simm.s32 @!p0 $0x108  }
0x21: {  	s3 =	sadd.s32 s3, s9;
	s6 =	sadd.s32 @!p0 $0x88, s6;
	s7 =	simm.s32 @p2 $0x1082  }
0x22: {  	[simem:s7], [sflag:s8] =	dma.local @!p0 [hbm:s6], $0xF7A  }
0x23: {  	s9 =	sor.u32 $0xD0000000, s2;
	s6 =	simm.s32 $0x108;
	_ =	swait.ge @!p0 [sflag:s8], $0x0  }
0x24: {  	s3 =	sadd.s32 $0x88, s3;
	s6 =	simm.s32 @!p1 $0x1082;
	[sflag:s4] =	ssyncset.s32 $0xFFFFF086  }
0x25: {  	[simem:s6], [sflag:s4] =	dma.local [hbm:s3], $0xF7A  }
0x26: {  	[smem:$0x3F8D] =	sst s1;
	(tag) =	ssettag s2;
	_ =	strace s9  }
0x27: {  	s1 =	sld [smem:$0x3F9D]  }
0x28: {  	s2 =	sld [smem:$0x3F9E]  }
0x29: {  	s4 =	sld [smem:$0x3FA0]  }
0x2a: {  	p0 =	seq.s32 s5, $0x0;
	s5 =	sld [smem:$0x3FA1]  }
0x2b: {  	s6 =	sld [smem:$0x3FA2]  }
0x2c: {  	s7 =	sld [smem:$0x3FA3]  }
0x2d: {  	s3 =	simm.s32 $0x108;
	s8 =	sld [smem:$0x3FA4]  }
0x2e: {  	s3 =	simm.s32 @!p0 $0x1082;
	s9 =	sld [smem:$0x3FA5]  }
0x2f: {  	lr =	sadd.s32 s0, s3;
	s0 =	sld [smem:$0x3F9C]  }
0x30: {  	s3 =	sld [smem:$0x3F9F]  }
0x31: {  	[smem:$0x3FA8] =	sst s10  }
0x32: {  	s10 =	sld [smem:$0x3FA6];
	_ =	sdelay $0x3  }
0x33: {  	p0 =	seq.s32 s10, $0x1;
	s10 =	sld [smem:$0x3FA8];
	_ =	sdelay $0x3  }
0x34: {  	[smem:$0x3FA8] =	sst s10  }
0x35: {  	s10 =	sld [smem:$0x3FA7];
	_ =	sdelay $0x3  }
0x36: {  	p1 =	seq.s32 s10, $0x1;
	s10 =	sld [smem:$0x3FA8];
	_ =	sdelay $0x3  }
0x37: {  	[smem:$0x3FA8] =	sst s10  }
0x38: {  	s10 =	sld [smem:$0x3FA9]  }
0x39: {  	_ = 	snop;
	(pc) =	sbr.ind lr, $3  }
0x3a: {  	_ = 	snop  }
0x3b: {  	_ = 	snop  }
0x3c: {  	p2 =	seq.s32 s10, $0x1;
	s10 =	sld [smem:$0x3FA8]  }
0x3d: {  	_ =	shalt  }
0x3e: {  	_ =	shalt  }
0x3f: {  	_ =	shalt  }
0x40: {  	_ =	shalt  }
0x41: {  	_ =	shalt  }
0x42: {  	_ =	shalt  }
0x43: {  	_ =	shalt  }
0x44: {  	_ =	shalt  }
0x45: {  	_ =	shalt  }
0x46: {  	_ =	shalt  }
0x47: {  	_ =	shalt  }
0x48: {  	_ =	shalt  }
0x49: {  	_ =	shalt  }
0x4a: {  	_ =	shalt  }
0x4b: {  	_ =	shalt  }
0x4c: {  	_ =	shalt  }
0x4d: {  	_ =	shalt  }
0x4e: {  	_ =	shalt  }
0x4f: {  	_ =	shalt  }
0x50: {  	_ =	shalt  }
0x51: {  	_ =	shalt  }
0x52: {  	_ =	shalt  }
0x53: {  	_ =	shalt  }
0x54: {  	_ =	shalt  }
0x55: {  	_ =	shalt  }
0x56: {  	_ =	shalt  }
0x57: {  	_ =	shalt  }
0x58: {  	_ =	shalt  }
0x59: {  	_ =	shalt  }
0x5a: {  	_ =	shalt  }
0x5b: {  	_ =	shalt  }
0x5c: {  	_ =	shalt  }
0x5d: {  	_ =	shalt  }
0x5e: {  	_ =	shalt  }
0x5f: {  	_ =	shalt  }
0x60: {  	_ =	shalt  }
0x61: {  	_ =	shalt  }
0x62: {  	_ =	shalt  }
0x63: {  	_ =	shalt  }
0x64: {  	_ =	shalt  }
0x65: {  	_ =	shalt  }
0x66: {  	_ =	shalt  }
0x67: {  	_ =	shalt  }
0x68: {  	_ =	shalt  }
0x69: {  	_ =	shalt  }
0x6a: {  	_ =	shalt  }
0x6b: {  	_ =	shalt  }
0x6c: {  	_ =	shalt  }
0x6d: {  	_ =	shalt  }
0x6e: {  	_ =	shalt  }
0x6f: {  	_ =	shalt  }
0x70: {  	_ =	shalt  }
0x71: {  	_ =	shalt  }
0x72: {  	_ =	shalt  }
0x73: {  	_ =	shalt  }
0x74: {  	_ =	shalt  }
0x75: {  	_ =	shalt  }
0x76: {  	_ =	shalt  }
0x77: {  	_ =	shalt  }
0x78: {  	_ =	shalt  }
0x79: {  	_ =	shalt  }
0x7a: {  	_ =	shalt  }
0x7b: {  	_ =	shalt  }
0x7c: {  	_ =	shalt  }
0x7d: {  	_ =	shalt  }
0x7e: {  	_ =	shalt  }
0x7f: {  	_ =	shalt  }
0x80: {  	_ =	shalt  }
0x81: {  	_ =	shalt  }
0x82: {  	_ =	shalt  }
0x83: {  	_ =	shalt  }
0x84: {  	_ =	shalt  }
0x85: {  	_ =	shalt  }
0x86: {  	_ =	shalt  }
0x87: {  	_ =	shalt  }
.Lfunc_end0:
.L_simem_size_0:
called_computation_lowered:
.L_overlay_start_0:
0x88: {  	s2 =	sld [smem:$0x3FD9]  }
0x89: {  	s3 =	sld [smem:$0x3FFE];
	_ =	sdelay $0x1  }
0x8a: {  	s1 =	srdreg.scid  }
0x8b: {  	s0 =	sand.u32 $0x1, s1  }
0x8c: {  	s16 =	sshll.u32 s0, $0xA;
	s2 =	sadd.s32 s3, s2  }
0x8d: {  	s2 =	sadd.s32 s2, s16  }
0x8e: {  	[smem:$0x3FB4] =	sst s2  }
0x8f: {  	_ = 	snop  }
0x90: {  	(tm) =	ssettm $0x1  }
0x91: {  	s17 =	sld [smem:$0x3FFB];
	_ =	sdelay $0x3  }
0x92: {  	_ =	strace s17  }
0x93: {  	s2 =	sld [smem:$0x3FFC];
	_ =	sdelay $0x3  }
0x94: {  	_ =	strace s2  }
0x95: {  	s2 =	sld [smem:$0x3FFD];
	_ =	sdelay $0x3  }
0x96: {  	_ =	strace s2  }
0x97: {  	_ =	strace $0x8FFFFFFF  }
0x98: {  	s18 =	sld [smem:$0x3FDB];
	_ =	sdelay $0x1  }
0x99: {  	s19 =	simm.s32 $_scs_section_size  }
0x9a: {  	s4 =	simm.s32 $_size__tile_overlayer_lowered;
	s5 =	simm.s32 $_tile_overlayer_lowered  }
0x9b: {  	s22 =	simm.s32 $0x1BFF;
	s21 =	sshll.u32 s5, $0x1;
	s2 =	sadd.s32 s19, s18  }
0x9c: {  	s6 =	simm.s32 $0x0;
	s20 =	sshll.u32 s4, $0x1;
	s4 =	sadd.s32 s21, s2  }
0x9d: {  	[timem:s6], [sflag:s22] =	dma.local [hbm:s4], s20  }
0x9e: {  	_ =	swait.ge [sflag:s22], s20  }
0x9f: {  	s3 =	ssub.s32 $0x0, s20;
	[sflag:s22] =	ssyncset.done $0x0  }
0xa0: {  	[sflag:s22] =	ssyncadd.s32 s3;
	_ =	sdelay $0x1  }
0xa1: {  	s23 =	simm.s32 $0x1B8B  }
0xa2: {  	_ =	swait.ge [sflag:s23], $0x1  }
0xa3: {  	[sflag:s23] =	ssyncset.done $0x0  }
0xa4: {  	s25 =	simm.s32 $0x1B8E;
	s24 =	sld [smem:$0x3FFE];
	[sflag:s23] =	ssyncadd.s32 $0xFFFFFFFF  }
0xa5: {  	s26 =	simm.s32 $execute0_lowered;
	[smem:$0x3FD2] =	sst s25  }
0xa6: {  	s4 =	sshll.u32 s26, $0x1;
	_ =	strace $0x80000046;
	[dreg:$0x1] =	wrdreg $0xFFFFFFFF  }
0xa7: {  	s28 =	simm.s32 $_size_execute0_lowered;
	s2 =	sadd.s32 s2, s4;
	[dreg:$0x0] =	wrdreg $0x0  }
0xa8: {  	s4 =	sshll.u32 s28, $0x1;
	[dreg:$0x2] =	wrdreg s2  }
0xa9: {  	[dreg:$0x3] =	wrdreg s4  }
0xaa: {  	[dreg:$0x4] =	wrdreg $0xC0  }
0xab: {  	_ =	task [dreg:s6], $0x5FFFF  }
0xac: {  	[dreg:$0x1] =	wrdreg $0xFFFFFFFF  }
0xad: {  	[dreg:$0x0] =	wrdreg $0x60  }
0xae: {  	[dreg:$0x2] =	wrdreg s24  }
0xaf: {  	[dreg:$0x3] =	wrdreg $0x9  }
0xb0: {  	_ =	task.clear_ibuf [dreg:s6], $0x4FFFF;
	_ =	strace $0x90000046  }
0xb1: {  	s29 =	simm.s32 $0x9;
	_ =	strace $0x80000048  }
0xb2: {  	_ =	swait.ge [sflag:s29], $0x1  }
0xb3: {  	[sflag:s29] =	ssyncadd.s32 $0xFFFFFFFF  }
0xb4: {  	_ =	strace $0x90000048  }
0xb5: {  	_ =	sfence  }
0xb6: {  	s30 =	sld [smem:$0x0];
	_ =	sdelay $0x2  }
0xb7: {  	s31 =	sshll.u32 s1, $0xD;
	s1 =	sshrl.u32 s1, $0x2  }
0xb8: {  	s3 =	sand.u32 $0x4000, s31;
	s1 =	sadd.s32 s1, s30  }
0xb9: {  	s0 =	sor.u32 s3, s0;
	s1 =	sshll.u32 s1, $0x11  }
0xba: {  	s0 =	sor.u32 s1, s0  }
0xbb: {  	s0 =	sadd.s32 $0x8F2B, s0  }
0xbc: {  	[sflag:s0] =	ssyncadd.remote.s32 $0x1  }
0xbd: {  	_ =	sfence.sel $0xFFFF  }
0xbe: {  	[dreg:$0x0] =	wrdreg $0xFFFFFFFF;
	(pc) =	sbr.abs _section_cstart, $3  }
0xbf: {  	[dreg:$0x1] =	wrdreg $0xFFFFFFFF  }
0xc0: {  	_ =	task.clear_ibuf [dreg:s6], $0x2FFFF;
	_ =	strace $0x9FFFFFFF  }
0xc1: {  	(tm) =	ssettm $0x7FFFFFFF  }
tec
execute0_lowered:
.L_overlay_start_1:
0x0: {  	(tag) =	ssettag $0x1  }
0x1: {  	s5 =	rddreg [dreg:$0x0]  }
0x2: {  	s0 =	rddreg [dreg:$0x1];
	s3 =	srdreg.scid;
	s2 =	simm.s32 $0x0  }
0x3: {  	s1 =	stileid.u32;
	s11 =	simm.s32 $0x400;
	s12 =	simm.s32 $0x1  }
0x4: {  	s13 =	simm.s32 $0x500;
	s14 =	simm.s32 $0xA00;
	s19 =	simm.s32 $0x0  }
0x5: {  	s6 =	sand.u32 $0x1, s3;
	[smem:$0x7FF] =	sst s2;
	s4 =	sshll.u32 s1, $0x4  }
0x6: {  	s3 =	sadd.s32 $0xBE00, s5;
	s7 =	sshll.u32 s6, $0x3;
	_ =	strace $0x80000047  }
0x7: {  	s8 =	ssub.s32 $0x2, s6;
	s7 =	sor.u32 s7, s4;
	s4 =	sadd.s32 $0x1E00, s5  }
0x8: {  	s5 =	sadd.s32 $0x15E00, s5;
	s10 =	sshrl.u32 s8, $0x1;
	s9 =	sshrl.u32 s7, $0x3  }
0x9: {  	s10 =	ssub.s32 s8, s10;
	s7 =	sand.u32 $0x78, s7;
	s6 =	smul.u32 $0x2800, s9  }
0xa: {  	v0 =	vimm.f32 $0.0e+00;
	v1 =	vimm.f32 $1.000000000e+00;
	s8 =	smul.u32 $0xC800, s9;
	s9 =	smax.u32 s10, $0x1;
	s10 =	simm.s32 $0x80  }
.LBB2_1:
0xb: {  	s15 =	simm.s32 $0x0  }
.LBB2_2:
0xc: {  	s16 =	sshll.u32 s15, $0x7  }
0xd: {  	s17 =	sadd.s32 s6, s16  }
0xe: {  	s17 =	sshrl.u32 s17, $0x3  }
0xf: {  	s18 =	sadd.s32 s3, s17  }
0x10: {  	[tilespmem:s19], [sflag:$0x1] =	stream.strided.gather [hbm4b:s18+s10], $0x500, s11, s10, $0x38;
	[tilespmem:$0x2300] =	vst v63  }
0x11: {  	_ =	swait.ge [sflag:s12], $0x500  }
0x12: {  	[sflag:s12] =	ssyncset.done $0x0  }
0x13: {  	s17 =	sadd.s32 s4, s17;
	[sflag:s12] =	ssyncadd.s32 $0xFFFFFB00  }
0x14: {  	[tilespmem:s13], [sflag:$0x1] =	stream.strided.gather [hbm4b:s17+s10], $0x500, s11, s10, $0x38;
	[tilespmem:$0x2300] =	vst v63  }
0x15: {  	_ =	swait.ge [sflag:s12], $0x500  }
0x16: {  	[sflag:s12] =	ssyncset.done $0x0  }
0x17: {  	s18 =	simm.s32 $0x0;
	s17 =	simm.s32 $0x40;
	[sflag:s12] =	ssyncadd.s32 $0xFFFFFB00  }
.LBB2_3:
0x18: {  	p0 =	seq.s32 s17, $0x63C0;
	[tilespmem:s18+$0xA00] =	vst v0;
	s18 =	smov.u32 s17;
	s17 =	sadd.s32 $0x40, s17  }
.Ltmp0:
0x19: {  	(pc) =	sbr.rel @!p0 .LBB2_3-.Ltmp0, $2  }
0x1a: {  	_ =	sdelay $0x2  }
0x1b: {  	s18 =	sshra.s32 s18, $0x2  }
0x1c: {  	s17 =	sadd.s32 s7, s15  }
0x1d: {  	s17 =	smul.u32 $0xFFFFE6B0, s17;
	_ =	sdelay $0x1  }
0x1e: {  	[tilespmem:s18+$0xA00] =	vst v0;
	s18 =	simm.s32 $0x0;
	v2 =	vmov s17;
	s17 =	simm.s32 $0x40  }
.LBB2_5:
0x1f: {  	p0 =	sne.s32 s17, $0x13C0;
	v3 =	vld [tilespmem:s18+$0x500]  }
0x20: {  	v4 =	vld [tilespmem:s18+$0x0];
	_ =	sdelay $0x3  }
0x21: {  	v3 =	vmul.u32 $0x50, v3  }
0x22: {  	v4 =	vadd.s32 v2, v4  }
0x23: {  	v3 =	vadd.s32 v3, v4  }
.Ltmp1:
0x24: {  	(pc) =	sbr.rel @p0 .LBB2_5-.Ltmp1, $2  }
0x25: {  	_ =	sdelay $0x2  }
0x26: {  	s18 =	sshra.s32 s17, $0x2;
	s17 =	sadd.s32 $0x40, s17;
	[tilespmem:v3+s14+$0x0] =	vst.idx.add.f32.msk $0xffff, v1  }
0x27: {  	v3 =	vld [tilespmem:s18+$0x500]  }
0x28: {  	v4 =	vld [tilespmem:s18+$0x0];
	_ =	sdelay $0x3  }
0x29: {  	v3 =	vmul.u32 $0x50, v3  }
0x2a: {  	v2 =	vadd.s32 v2, v4  }
0x2b: {  	v2 =	vadd.s32 v3, v2;
	_ =	sdelay $0x2  }
0x2c: {  	s16 =	sadd.s32 s8, s16;
	s15 =	sadd.s32 $0x1, s15  }
0x2d: {  	s16 =	sshrl.u32 s16, $0x3;
	p0 =	sne.s32 s15, $0x8  }
.Ltmp2:
0x2e: {  	s16 =	sadd.s32 s5, s16;
	[tilespmem:v2+s14+$0x0] =	vst.idx.add.f32.msk $0xffff, v1;
	(pc) =	sbr.rel @p0 .LBB2_2-.Ltmp2, $4  }
0x2f: {  	[hbm4b:s16+s10] =	stream.strided.scatter [tilespmem:s14], [sflag:$0x1], $0x1900, s11, s10, $0x38;
	[tilespmem:$0x2300] =	vst v63  }
0x30: {  	_ =	swait.ge [sflag:s12], $0x1900  }
0x31: {  	[sflag:s12] =	ssyncset.done $0x0  }
0x32: {  	[sflag:s12] =	ssyncadd.s32 $0xFFFFE700  }
0x33: {  	s2 =	sadd.s32 $0x1, s2  }
0x34: {  	p0 =	sne.s32 s2, s9  }
.Ltmp3:
0x35: {  	_ = 	snop;
	(pc) =	sbr.rel @p0 .LBB2_1-.Ltmp3, $1  }
0x36: {  	_ =	sdelay $0x3  }
0x37: {  	_ =	sfence.sel $0x180000  }
0x38: {  	[bflag:$0x0] =	sbarrier.arrive $0xFFFF  }
0x39: {  	p0 =	sne.s32 s1, $0x0;
	_ =	strace $0x90000047  }
0x3a: {  	s0 =	sadd.s32 @!p0 $0x100000, s0;
	[bflag:$0x2] =	sbarrier.arrive $0xFFFF  }
0x3b: {  	[sflag:s0] =	ssyncadd.tile.s32 @!p0 $0x1;
	_ =	shalt  }
.Lfunc_end2:
_tile_overlayer_lowered:
.L_overlay_start_2:
0x3c: {  	(tag) =	ssettag $0x2  }
0x3d: {  	s0 =	rddreg [dreg:$0x0];
	s2 =	stileid.u32  }
0x3e: {  	s1 =	rddreg [dreg:$0x1];
	p0 =	sne.s32 s2, $0x0  }
0x3f: {  	s3 =	rddreg [dreg:$0x2];
	[bflag:$0x3] =	sbarrier.arrive $0xFFFF;
	s2 =	simm.s32 @!p0 $0x1C01  }
0x40: {  	[timem:s3], [sflag:s2] =	dma.local @!p0 [hbm:s0], s1  }
0x41: {  	s0 =	simm.s32 @!p0 $0x1  }
0x42: {  	_ =	swait.ge @!p0 [sflag:s0], s1  }
0x43: {  	s1 =	ssub.s32 @!p0 $0x0, s1;
	[sflag:s0] =	ssyncset.done @!p0 $0x0  }
0x44: {  	[sflag:s0] =	ssyncadd.s32 @!p0 s1  }
0x45: {  	[bflag:$0x3] =	sbarrier.arrive $0xFFFF  }
0x46: {  	_ =	shalt  }

</sc_bundles>
